<compile_context>
chip_gen: v7x
topology: tpu7x:2x2x1
jax: 0.10.2.dev20260603
libtpu: 0.0.44.dev20260713+nightly
codegen_flags: <defaults>
</compile_context>

<pallas_src>
import functools

import numpy as np

import jax
import jax.numpy as jnp
from jax import lax
from jax.experimental import pallas as pl
from jax.experimental.pallas import tpu as pltpu
from jax.experimental.pallas import tpu_sc as plsc

_B, _N, _D, _S = 2, 50000, 40, 4
_DP = 64
_BN = _B * _N
_Q = _S * _BN
_R = 2 * _Q

_NC, _NS = 2, 16
_NW = _NC * _NS
_RW = _R // _NW
_SUB = 128
_K = 12
_MB = _SUB * _K
_NFULL = _RW // _MB
_TAIL = _RW - _NFULL * _MB


_TF_ROTS = ((13, 15, 26, 6), (17, 29, 16, 24),
            (13, 15, 26, 6), (17, 29, 16, 24), (13, 15, 26, 6))


def _np_threefry2x32(k0, k1, x0, x1):
    with np.errstate(over="ignore"):
        ks = [np.uint32(k0), np.uint32(k1),
              np.uint32(k0) ^ np.uint32(k1) ^ np.uint32(0x1BD11BDA)]
        x = [np.uint32(x0) + ks[0], np.uint32(x1) + ks[1]]
        for i, rots in enumerate(_TF_ROTS):
            for r in rots:
                x[0] = (x[0] + x[1]).astype(np.uint32)
                x[1] = x[0] ^ ((x[1] << np.uint32(r))
                               | (x[1] >> np.uint32(32 - r)))
            x[0] = (x[0] + ks[(i + 1) % 3]).astype(np.uint32)
            x[1] = (x[1] + ks[(i + 2) % 3] + np.uint32(i + 1)).astype(
                np.uint32)
        return x[0], x[1]


def _np_split_keys(seed):
    b1, b2 = _np_threefry2x32(0, seed,
                              np.uint32([0, 0]), np.uint32([0, 1]))
    return (int(b1[0]), int(b2[0])), (int(b1[1]), int(b2[1]))


def _tf_rounds(k0, k1, x0, x1):
    ks = (jnp.uint32(k0), jnp.uint32(k1),
          jnp.uint32(np.uint32(k0) ^ np.uint32(k1) ^ np.uint32(0x1BD11BDA)))
    x0 = x0 + ks[0]
    x1 = x1 + ks[1]
    for i, rots in enumerate(_TF_ROTS):
        for r in rots:
            x0 = x0 + x1
            x1 = x0 ^ ((x1 << jnp.uint32(r)) | (x1 >> jnp.uint32(32 - r)))
        x0 = x0 + ks[(i + 1) % 3]
        x1 = x1 + ks[(i + 2) % 3] + jnp.uint32(i + 1)
    return x0, x1


_IDXR = _Q // 128


def _idx_body(outj_ref, outk_ref):
    rows = lax.broadcasted_iota(jnp.uint32, (_IDXR, 128), 0)
    lanes = lax.broadcasted_iota(jnp.uint32, (_IDXR, 128), 1)
    p2 = rows * jnp.uint32(128) + lanes
    thi = (p2 >= jnp.uint32(200000)).astype(jnp.uint32)
    p = p2 - thi * jnp.uint32(200000)
    bb = (p >= jnp.uint32(100000)).astype(jnp.uint32)
    q = p - bb * jnp.uint32(100000)
    n = q >> jnp.uint32(1)
    slo = q & jnp.uint32(1)
    e = (bb * jnp.uint32(_N) + n) * jnp.uint32(4) \
        + thi * jnp.uint32(2) + slo
    zero = jnp.zeros_like(e)

    def randint_val(kh, kl):
        h0, h1 = _tf_rounds(kh[0], kh[1], zero, e)
        l0, l1 = _tf_rounds(kl[0], kl[1], zero, e)
        hi = h0 ^ h1
        lo = l0 ^ l1
        y = ((hi >> jnp.uint32(16)) * jnp.uint32(10656)
             + (hi & jnp.uint32(0xFFFF)) * jnp.uint32(17296)
             + (lo >> jnp.uint32(16)) * jnp.uint32(15536)
             + (lo & jnp.uint32(0xFFFF)))
        y = (y >> jnp.uint32(24)) * jnp.uint32(27216) \
            + (y & jnp.uint32(0xFFFFFF))
        for _ in range(5):
            y = (y >> jnp.uint32(16)) * jnp.uint32(15536) \
                + (y & jnp.uint32(0xFFFF))
        y = jnp.where(y >= jnp.uint32(100000), y - jnp.uint32(100000), y)
        y = jnp.where(y >= jnp.uint32(50000), y - jnp.uint32(50000), y)
        return (y + bb * jnp.uint32(_N)).astype(jnp.int32)

    kh1, kl1 = _np_split_keys(1)
    kh2, kl2 = _np_split_keys(2)
    outj_ref[...] = randint_val(kh1, kl1)
    outk_ref[...] = randint_val(kh2, kl2)


def _idx_gen():
    sds = jax.ShapeDtypeStruct((_IDXR, 128), jnp.int32)
    return pl.pallas_call(
        _idx_body,
        grid=(1,),
        in_specs=[],
        out_specs=(pl.BlockSpec((_IDXR, 128), lambda i: (0, 0)),
                   pl.BlockSpec((_IDXR, 128), lambda i: (0, 0))),
        out_shape=(sds, sds),
    )()


def _pack_body(x_ref, out_ref):
    a = x_ref[...]
    pr = a.reshape(a.shape[0] // 2, 2, _D)
    pad = jnp.zeros((pr.shape[0], _DP - _D), dtype=a.dtype)
    out_ref[...] = jnp.concatenate(
        [pr[:, 0, :], pad, pr[:, 1, :], pad], axis=1)


_PBLK = 2000


def _pack(x2):
    return pl.pallas_call(
        _pack_body,
        grid=(_BN // (2 * _PBLK),),
        in_specs=[pl.BlockSpec((2 * _PBLK, _D), lambda i: (i, 0))],
        out_specs=pl.BlockSpec((_PBLK, 2 * _DP), lambda i: (i, 0)),
        out_shape=jax.ShapeDtypeStruct((_BN // 2, 2 * _DP), jnp.float32),
    )(x2)


def _sc_gather_body(x_hbm, idxj_hbm, idxk_hbm, out_hbm, idx_v, rows_v, sem):
    c = lax.axis_index("c")
    s = lax.axis_index("s")
    wid = s * _NC + c
    base = wid * _RW

    @pl.when(wid < _NW // 2)
    def _():
        pltpu.sync_copy(idxj_hbm.at[pl.ds(wid * _RW, _RW)], idx_v)

    @pl.when(wid >= _NW // 2)
    def _():
        pltpu.sync_copy(idxk_hbm.at[pl.ds((wid - _NW // 2) * _RW, _RW)],
                        idx_v)

    def run_block(off, sizes):
        handles = []
        pos = 0
        for sz in sizes:
            handles.append(pltpu.async_copy(
                x_hbm.at[idx_v.at[pl.ds(off + pos, sz)]],
                rows_v.at[pl.ds(pos, sz)],
                sem))
            pos += sz
        for h in handles:
            h.wait()
        pltpu.sync_copy(rows_v.at[pl.ds(0, pos)],
                        out_hbm.at[pl.ds(base + off, pos)])

    def blk(i, carry):
        run_block(i * _MB, [_SUB] * _K)
        return carry

    lax.fori_loop(0, _NFULL, blk, 0)
    run_block(_NFULL * _MB, [_SUB, _SUB, _SUB, _TAIL - 3 * _SUB])


@functools.cache
def _sc_gather():
    return pl.kernel(
        _sc_gather_body,
        out_type=jax.ShapeDtypeStruct((_R, _DP), jnp.float32),
        mesh=plsc.VectorSubcoreMesh(core_axis_name="c", subcore_axis_name="s"),
        scratch_types=[
            pltpu.VMEM((_RW,), jnp.int32),
            pltpu.VMEM((_MB, _DP), jnp.float32),
            pltpu.SemaphoreType.DMA,
        ],
        compiler_params=pltpu.CompilerParams(use_tc_tiling_on_sc=False),
    )


_BLK = 4000
_NB = _BN // _BLK


def _mlp_body(xlo_ref, glo_j_ref, ghi_j_ref, glo_k_ref, ghi_k_ref,
              w1i_ref, w1j_ref, w1k_ref, b1_ref, w2_ref, b2_ref, out_ref):
    a = jnp.dot(xlo_ref[...], w1i_ref[...]) + b1_ref[...]
    a2 = jnp.concatenate([a, a], axis=1)
    hlo = a2 + jnp.dot(glo_j_ref[...], w1j_ref[...])
    hlo = hlo + jnp.dot(glo_k_ref[...], w1k_ref[...])
    hhi = a2 + jnp.dot(ghi_j_ref[...], w1j_ref[...])
    hhi = hhi + jnp.dot(ghi_k_ref[...], w1k_ref[...])
    hlo = jax.nn.gelu(hlo, approximate=True)
    hhi = jax.nn.gelu(hhi, approximate=True)
    t = (hlo[:, :_D] + hlo[:, _D:] + hhi[:, :_D] + hhi[:, _D:]) * (1.0 / _S)
    out_ref[...] = jnp.dot(t, w2_ref[...]) + b2_ref[...]


def _mlp(x2, g2, w1i, w1jb, w1kb, b1, w2, b2):
    cspec = lambda shape: pl.BlockSpec(shape, lambda nb: (0, 0))
    gspec = lambda sec: pl.BlockSpec(
        (_BLK, 2 * _DP), lambda nb, sec=sec: (sec * _NB + nb, 0))
    return pl.pallas_call(
        _mlp_body,
        grid=(_NB,),
        in_specs=[
            pl.BlockSpec((_BLK, _D), lambda nb: (nb, 0)),
            gspec(0), gspec(1), gspec(2), gspec(3),
            cspec((_D, _D)), cspec((2 * _DP, 2 * _D)),
            cspec((2 * _DP, 2 * _D)), cspec((1, _D)),
            cspec((_D, _D)), cspec((1, _D)),
        ],
        out_specs=pl.BlockSpec((_BLK, _D), lambda nb: (nb, 0)),
        out_shape=jax.ShapeDtypeStruct((_BN, _D), jnp.float32),
    )(x2, g2, g2, g2, g2, w1i, w1jb, w1kb, b1, w2, b2)


def _block_diag_w(w):
    z = jnp.zeros((_DP - _D, _D), jnp.float32)
    left = jnp.concatenate([w, z, jnp.zeros((_DP, _D), jnp.float32)], axis=0)
    right = jnp.concatenate([jnp.zeros((_DP, _D), jnp.float32), w, z], axis=0)
    return jnp.concatenate([left, right], axis=1)


def kernel(x, W1, b1, W2, b2):
    B, N, D = x.shape
    idx_j, idx_k = _idx_gen()
    x2 = x.reshape(B * N, D)
    xp = _pack(x2)
    g = _sc_gather()(xp.reshape(_BN, _DP),
                     idx_j.reshape(_Q), idx_k.reshape(_Q))
    g2 = g.reshape(_R // 2, 2 * _DP)
    out = _mlp(x2, g2, W1[:D], _block_diag_w(W1[D:2 * D]),
               _block_diag_w(W1[2 * D:]), b1.reshape(1, D), W2,
               b2.reshape(1, D))
    return out.reshape(B, N, D)

# --- scband reference (transcript-rebuilt; emitter-appended) ---
"""Pipeline reference for scband-triple-connect-73340861546847 (READ-ONLY COPY).

The authoritative reference and input builder live on the scoring server;
editing this copy changes nothing except your own understanding.
"""

import jax, jax.numpy as jnp
import numpy as np


def setup_inputs(seed: int = 0):
    key = jax.random.key(seed)
    k1, k2, k3 = jax.random.split(key, 3)
    B, N, D = 2, 50000, 40
    x = jax.random.normal(k1, (B, N, D), dtype=jnp.float32)
    W1 = jax.random.normal(k2, (3 * D, D), dtype=jnp.float32) * 0.05
    b1 = jnp.zeros((D,), dtype=jnp.float32)
    W2 = jax.random.normal(k3, (D, D), dtype=jnp.float32) * 0.05
    b2 = jnp.zeros((D,), dtype=jnp.float32)
    return {"x": x, "W1": W1, "b1": b1, "W2": W2, "b2": b2}


def reference(x, W1, b1, W2, b2):
    B, N, D = x.shape
    S = 4
    # torch forward draws fresh random neighbor indices each call;
    # here we use fixed keys for determinism.
    ji = jax.random.randint(jax.random.key(1), (B, N, S), 0, N)
    ki = jax.random.randint(jax.random.key(2), (B, N, S), 0, N)
    gather = jax.vmap(lambda xb, ib: jnp.take(xb, ib.reshape(-1), axis=0))
    xj = gather(x, ji).reshape(B, N, S, D)
    xk = gather(x, ki).reshape(B, N, S, D)
    xi = jnp.broadcast_to(x[:, :, None, :], (B, N, S, D))
    cat = jnp.concatenate([xi, xj, xk], axis=-1)
    h = jax.nn.gelu(cat @ W1 + b1, approximate=False)
    out = h @ W2 + b2
    return out.mean(axis=2)

if __name__ == "__main__":
    import jax
    _d = setup_inputs()
    print(jax.jit(kernel)(*tuple(_d.values())))

</pallas_src>

<mosaic_0001>
#map = affine_map<(d0, d1) -> (0, 0)>
#map1 = affine_map<(d0, d1) -> (0)>
module attributes {stable_mosaic.version = 14 : i64} {
  func.func @_sc_gather_body(%arg0: i32, %arg1: i32, %arg2: memref<100000x64xf32, #tpu.memory_space<hbm>>, %arg3: memref<400000xi32, #tpu.memory_space<hbm>>, %arg4: memref<400000xi32, #tpu.memory_space<hbm>>, %arg5: memref<800000x64xf32, #tpu.memory_space<hbm>>, %arg6: memref<25000xi32, #tpu.memory_space<vmem>>, %arg7: memref<1536x64xf32, #tpu.memory_space<vmem>>, %arg8: memref<!tpu.dma_semaphore, #tpu.memory_space<semaphore_mem>>) attributes {dimension_semantics = [#tpu.dimension_semantics<core_parallel>, #tpu.dimension_semantics<subcore_parallel>], iteration_bounds = array<i64: 2, 16>, scalar_prefetch = 0 : i64, scratch_operands = 3 : i64, tpu.core_type = #tpu.core_type<sc_vector_subcore>, window_params = [{transform_indices = #map}, {transform_indices = #map1}, {transform_indices = #map1}, {transform_indices = #map}]} {
    %mul3A = arith.constant 2 : i32
    %mul3A_0 = arith.muli %arg1, %mul3A : i32
    %add3A = arith.addi %mul3A_0, %arg0 : i32
    %mul3A_1 = arith.constant 25000 : i32
    %mul3A_2 = arith.muli %add3A, %mul3A_1 : i32
    %lt3A = arith.constant 16 : i32
    %lt3A_3 = arith.cmpi slt, %add3A, %lt3A : i32
    %convert_element_type3A = arith.extui %lt3A_3 : i1 to i32
    %cond3A = arith.constant 0 : i32
    %cond3A_4 = arith.cmpi ne, %convert_element_type3A, %cond3A : i32
    scf.if %cond3A_4 {
      %mul3A_78 = arith.constant 25000 : i32
      %mul3A_79 = arith.muli %add3A, %mul3A_78 : i32
      "tpu.region"() ({
        %run_scoped3A = tpu.sem_alloc : memref<!tpu.dma_semaphore, #tpu.memory_space<semaphore_mem>>
        %dma_start3A_80 = tpu.memref_slice %arg3[%mul3A_79] : memref<400000xi32, #tpu.memory_space<hbm>> -> memref<25000xi32, #tpu.memory_space<hbm>>
        %dma_start3A_81 = tpu.memref_slice %arg3[%mul3A_79] : memref<400000xi32, #tpu.memory_space<hbm>> -> memref<25000xi32, #tpu.memory_space<hbm>>
        tpu.enqueue_dma source(%dma_start3A_81 : memref<25000xi32, #tpu.memory_space<hbm>>) target(%arg6 : memref<25000xi32, #tpu.memory_space<vmem>>) target_semaphore(%run_scoped3A : memref<!tpu.dma_semaphore, #tpu.memory_space<semaphore_mem>>)
        %dma_wait3A_82 = tpu.memref_slice %arg3[%mul3A_79] : memref<400000xi32, #tpu.memory_space<hbm>> -> memref<25000xi32, #tpu.memory_space<hbm>>
        %dma_wait3A_83 = tpu.memref_slice %arg3[%mul3A_79] : memref<400000xi32, #tpu.memory_space<hbm>> -> memref<25000xi32, #tpu.memory_space<hbm>>
        tpu.wait_dma2 semaphore(%run_scoped3A : memref<!tpu.dma_semaphore, #tpu.memory_space<semaphore_mem>>) src(%dma_wait3A_83 : memref<25000xi32, #tpu.memory_space<hbm>>) dst(%arg6 : memref<25000xi32, #tpu.memory_space<vmem>>)
        tpu.yield
      }) : () -> ()
    } else {
    }
    %ge3A = arith.constant 16 : i32
    %ge3A_5 = arith.cmpi sge, %add3A, %ge3A : i32
    %convert_element_type3A_6 = arith.extui %ge3A_5 : i1 to i32
    %cond3A_7 = arith.constant 0 : i32
    %cond3A_8 = arith.cmpi ne, %convert_element_type3A_6, %cond3A_7 : i32
    scf.if %cond3A_8 {
      %sub3A = arith.constant 16 : i32
      %sub3A_78 = arith.subi %add3A, %sub3A : i32
      %mul3A_79 = arith.constant 25000 : i32
      %mul3A_80 = arith.muli %sub3A_78, %mul3A_79 : i32
      "tpu.region"() ({
        %run_scoped3A = tpu.sem_alloc : memref<!tpu.dma_semaphore, #tpu.memory_space<semaphore_mem>>
        %dma_start3A_81 = tpu.memref_slice %arg4[%mul3A_80] : memref<400000xi32, #tpu.memory_space<hbm>> -> memref<25000xi32, #tpu.memory_space<hbm>>
        %dma_start3A_82 = tpu.memref_slice %arg4[%mul3A_80] : memref<400000xi32, #tpu.memory_space<hbm>> -> memref<25000xi32, #tpu.memory_space<hbm>>
        tpu.enqueue_dma source(%dma_start3A_82 : memref<25000xi32, #tpu.memory_space<hbm>>) target(%arg6 : memref<25000xi32, #tpu.memory_space<vmem>>) target_semaphore(%run_scoped3A : memref<!tpu.dma_semaphore, #tpu.memory_space<semaphore_mem>>)
        %dma_wait3A_83 = tpu.memref_slice %arg4[%mul3A_80] : memref<400000xi32, #tpu.memory_space<hbm>> -> memref<25000xi32, #tpu.memory_space<hbm>>
        %dma_wait3A_84 = tpu.memref_slice %arg4[%mul3A_80] : memref<400000xi32, #tpu.memory_space<hbm>> -> memref<25000xi32, #tpu.memory_space<hbm>>
        tpu.wait_dma2 semaphore(%run_scoped3A : memref<!tpu.dma_semaphore, #tpu.memory_space<semaphore_mem>>) src(%dma_wait3A_84 : memref<25000xi32, #tpu.memory_space<hbm>>) dst(%arg6 : memref<25000xi32, #tpu.memory_space<vmem>>)
        tpu.yield
      }) : () -> ()
    } else {
    }
    %scan3A = arith.constant 0 : i32
    %scan3A_9 = arith.constant 0 : i32
    %scan3A_10 = arith.constant 16 : i32
    %scan3A_11 = arith.addi %scan3A_9, %scan3A_10 : i32
    %scan3A_12 = arith.constant 1 : i32
    scf.for %scan3A_78 = %scan3A_9 to %scan3A_11 step %scan3A_12  : i32 {
      %mul3A_79 = arith.constant 1536 : i32
      %mul3A_80 = arith.muli %scan3A_78, %mul3A_79 : i32
      %add3A_81 = arith.constant 0 : i32
      %add3A_82 = arith.addi %mul3A_80, %add3A_81 : i32
      %dma_start3A_83 = arith.constant 0 : i32
      %dma_start3A_84 = arith.constant 0 : i32
      %dma_start3A_85 = tpu.memref_slice %arg7[%dma_start3A_83, %dma_start3A_84] : memref<1536x64xf32, #tpu.memory_space<vmem>> -> memref<128x64xf32, #tpu.memory_space<vmem>>
      %dma_start3A_86 = tpu.memref_slice %arg6[%add3A_82] : memref<25000xi32, #tpu.memory_space<vmem>> -> memref<128xi32, #tpu.memory_space<vmem>>
      %dma_start3A_87 = arith.constant 0 : i32
      %dma_start3A_88 = arith.constant 0 : i32
      %dma_start3A_89 = tpu.memref_slice %arg2[%dma_start3A_87, %dma_start3A_88] : memref<100000x64xf32, #tpu.memory_space<hbm>> -> memref<100000x64xf32, #tpu.memory_space<hbm>>
      tpu.enqueue_indirect_dma source(%dma_start3A_89 : memref<100000x64xf32, #tpu.memory_space<hbm>>) target(%dma_start3A_85 : memref<128x64xf32, #tpu.memory_space<vmem>>) offsets(%dma_start3A_86 : memref<128xi32, #tpu.memory_space<vmem>>) semaphore(%arg8 : memref<!tpu.dma_semaphore, #tpu.memory_space<semaphore_mem>>)
      %add3A_90 = arith.constant 128 : i32
      %add3A_91 = arith.addi %mul3A_80, %add3A_90 : i32
      %dma_start3A_92 = arith.constant 128 : i32
      %dma_start3A_93 = arith.constant 0 : i32
      %dma_start3A_94 = tpu.memref_slice %arg7[%dma_start3A_92, %dma_start3A_93] : memref<1536x64xf32, #tpu.memory_space<vmem>> -> memref<128x64xf32, #tpu.memory_space<vmem>>
      %dma_start3A_95 = tpu.memref_slice %arg6[%add3A_91] : memref<25000xi32, #tpu.memory_space<vmem>> -> memref<128xi32, #tpu.memory_space<vmem>>
      %dma_start3A_96 = arith.constant 0 : i32
      %dma_start3A_97 = arith.constant 0 : i32
      %dma_start3A_98 = tpu.memref_slice %arg2[%dma_start3A_96, %dma_start3A_97] : memref<100000x64xf32, #tpu.memory_space<hbm>> -> memref<100000x64xf32, #tpu.memory_space<hbm>>
      tpu.enqueue_indirect_dma source(%dma_start3A_98 : memref<100000x64xf32, #tpu.memory_space<hbm>>) target(%dma_start3A_94 : memref<128x64xf32, #tpu.memory_space<vmem>>) offsets(%dma_start3A_95 : memref<128xi32, #tpu.memory_space<vmem>>) semaphore(%arg8 : memref<!tpu.dma_semaphore, #tpu.memory_space<semaphore_mem>>)
      %add3A_99 = arith.constant 256 : i32
      %add3A_100 = arith.addi %mul3A_80, %add3A_99 : i32
      %dma_start3A_101 = arith.constant 256 : i32
      %dma_start3A_102 = arith.constant 0 : i32
      %dma_start3A_103 = tpu.memref_slice %arg7[%dma_start3A_101, %dma_start3A_102] : memref<1536x64xf32, #tpu.memory_space<vmem>> -> memref<128x64xf32, #tpu.memory_space<vmem>>
      %dma_start3A_104 = tpu.memref_slice %arg6[%add3A_100] : memref<25000xi32, #tpu.memory_space<vmem>> -> memref<128xi32, #tpu.memory_space<vmem>>
      %dma_start3A_105 = arith.constant 0 : i32
      %dma_start3A_106 = arith.constant 0 : i32
      %dma_start3A_107 = tpu.memref_slice %arg2[%dma_start3A_105, %dma_start3A_106] : memref<100000x64xf32, #tpu.memory_space<hbm>> -> memref<100000x64xf32, #tpu.memory_space<hbm>>
      tpu.enqueue_indirect_dma source(%dma_start3A_107 : memref<100000x64xf32, #tpu.memory_space<hbm>>) target(%dma_start3A_103 : memref<128x64xf32, #tpu.memory_space<vmem>>) offsets(%dma_start3A_104 : memref<128xi32, #tpu.memory_space<vmem>>) semaphore(%arg8 : memref<!tpu.dma_semaphore, #tpu.memory_space<semaphore_mem>>)
      %add3A_108 = arith.constant 384 : i32
      %add3A_109 = arith.addi %mul3A_80, %add3A_108 : i32
      %dma_start3A_110 = arith.constant 384 : i32
      %dma_start3A_111 = arith.constant 0 : i32
      %dma_start3A_112 = tpu.memref_slice %arg7[%dma_start3A_110, %dma_start3A_111] : memref<1536x64xf32, #tpu.memory_space<vmem>> -> memref<128x64xf32, #tpu.memory_space<vmem>>
      %dma_start3A_113 = tpu.memref_slice %arg6[%add3A_109] : memref<25000xi32, #tpu.memory_space<vmem>> -> memref<128xi32, #tpu.memory_space<vmem>>
      %dma_start3A_114 = arith.constant 0 : i32
      %dma_start3A_115 = arith.constant 0 : i32
      %dma_start3A_116 = tpu.memref_slice %arg2[%dma_start3A_114, %dma_start3A_115] : memref<100000x64xf32, #tpu.memory_space<hbm>> -> memref<100000x64xf32, #tpu.memory_space<hbm>>
      tpu.enqueue_indirect_dma source(%dma_start3A_116 : memref<100000x64xf32, #tpu.memory_space<hbm>>) target(%dma_start3A_112 : memref<128x64xf32, #tpu.memory_space<vmem>>) offsets(%dma_start3A_113 : memref<128xi32, #tpu.memory_space<vmem>>) semaphore(%arg8 : memref<!tpu.dma_semaphore, #tpu.memory_space<semaphore_mem>>)
      %add3A_117 = arith.constant 512 : i32
      %add3A_118 = arith.addi %mul3A_80, %add3A_117 : i32
      %dma_start3A_119 = arith.constant 512 : i32
      %dma_start3A_120 = arith.constant 0 : i32
      %dma_start3A_121 = tpu.memref_slice %arg7[%dma_start3A_119, %dma_start3A_120] : memref<1536x64xf32, #tpu.memory_space<vmem>> -> memref<128x64xf32, #tpu.memory_space<vmem>>
      %dma_start3A_122 = tpu.memref_slice %arg6[%add3A_118] : memref<25000xi32, #tpu.memory_space<vmem>> -> memref<128xi32, #tpu.memory_space<vmem>>
      %dma_start3A_123 = arith.constant 0 : i32
      %dma_start3A_124 = arith.constant 0 : i32
      %dma_start3A_125 = tpu.memref_slice %arg2[%dma_start3A_123, %dma_start3A_124] : memref<100000x64xf32, #tpu.memory_space<hbm>> -> memref<100000x64xf32, #tpu.memory_space<hbm>>
      tpu.enqueue_indirect_dma source(%dma_start3A_125 : memref<100000x64xf32, #tpu.memory_space<hbm>>) target(%dma_start3A_121 : memref<128x64xf32, #tpu.memory_space<vmem>>) offsets(%dma_start3A_122 : memref<128xi32, #tpu.memory_space<vmem>>) semaphore(%arg8 : memref<!tpu.dma_semaphore, #tpu.memory_space<semaphore_mem>>)
      %add3A_126 = arith.constant 640 : i32
      %add3A_127 = arith.addi %mul3A_80, %add3A_126 : i32
      %dma_start3A_128 = arith.constant 640 : i32
      %dma_start3A_129 = arith.constant 0 : i32
      %dma_start3A_130 = tpu.memref_slice %arg7[%dma_start3A_128, %dma_start3A_129] : memref<1536x64xf32, #tpu.memory_space<vmem>> -> memref<128x64xf32, #tpu.memory_space<vmem>>
      %dma_start3A_131 = tpu.memref_slice %arg6[%add3A_127] : memref<25000xi32, #tpu.memory_space<vmem>> -> memref<128xi32, #tpu.memory_space<vmem>>
      %dma_start3A_132 = arith.constant 0 : i32
      %dma_start3A_133 = arith.constant 0 : i32
      %dma_start3A_134 = tpu.memref_slice %arg2[%dma_start3A_132, %dma_start3A_133] : memref<100000x64xf32, #tpu.memory_space<hbm>> -> memref<100000x64xf32, #tpu.memory_space<hbm>>
      tpu.enqueue_indirect_dma source(%dma_start3A_134 : memref<100000x64xf32, #tpu.memory_space<hbm>>) target(%dma_start3A_130 : memref<128x64xf32, #tpu.memory_space<vmem>>) offsets(%dma_start3A_131 : memref<128xi32, #tpu.memory_space<vmem>>) semaphore(%arg8 : memref<!tpu.dma_semaphore, #tpu.memory_space<semaphore_mem>>)
      %add3A_135 = arith.constant 768 : i32
      %add3A_136 = arith.addi %mul3A_80, %add3A_135 : i32
      %dma_start3A_137 = arith.constant 768 : i32
      %dma_start3A_138 = arith.constant 0 : i32
      %dma_start3A_139 = tpu.memref_slice %arg7[%dma_start3A_137, %dma_start3A_138] : memref<1536x64xf32, #tpu.memory_space<vmem>> -> memref<128x64xf32, #tpu.memory_space<vmem>>
      %dma_start3A_140 = tpu.memref_slice %arg6[%add3A_136] : memref<25000xi32, #tpu.memory_space<vmem>> -> memref<128xi32, #tpu.memory_space<vmem>>
      %dma_start3A_141 = arith.constant 0 : i32
      %dma_start3A_142 = arith.constant 0 : i32
      %dma_start3A_143 = tpu.memref_slice %arg2[%dma_start3A_141, %dma_start3A_142] : memref<100000x64xf32, #tpu.memory_space<hbm>> -> memref<100000x64xf32, #tpu.memory_space<hbm>>
      tpu.enqueue_indirect_dma source(%dma_start3A_143 : memref<100000x64xf32, #tpu.memory_space<hbm>>) target(%dma_start3A_139 : memref<128x64xf32, #tpu.memory_space<vmem>>) offsets(%dma_start3A_140 : memref<128xi32, #tpu.memory_space<vmem>>) semaphore(%arg8 : memref<!tpu.dma_semaphore, #tpu.memory_space<semaphore_mem>>)
      %add3A_144 = arith.constant 896 : i32
      %add3A_145 = arith.addi %mul3A_80, %add3A_144 : i32
      %dma_start3A_146 = arith.constant 896 : i32
      %dma_start3A_147 = arith.constant 0 : i32
      %dma_start3A_148 = tpu.memref_slice %arg7[%dma_start3A_146, %dma_start3A_147] : memref<1536x64xf32, #tpu.memory_space<vmem>> -> memref<128x64xf32, #tpu.memory_space<vmem>>
      %dma_start3A_149 = tpu.memref_slice %arg6[%add3A_145] : memref<25000xi32, #tpu.memory_space<vmem>> -> memref<128xi32, #tpu.memory_space<vmem>>
      %dma_start3A_150 = arith.constant 0 : i32
      %dma_start3A_151 = arith.constant 0 : i32
      %dma_start3A_152 = tpu.memref_slice %arg2[%dma_start3A_150, %dma_start3A_151] : memref<100000x64xf32, #tpu.memory_space<hbm>> -> memref<100000x64xf32, #tpu.memory_space<hbm>>
      tpu.enqueue_indirect_dma source(%dma_start3A_152 : memref<100000x64xf32, #tpu.memory_space<hbm>>) target(%dma_start3A_148 : memref<128x64xf32, #tpu.memory_space<vmem>>) offsets(%dma_start3A_149 : memref<128xi32, #tpu.memory_space<vmem>>) semaphore(%arg8 : memref<!tpu.dma_semaphore, #tpu.memory_space<semaphore_mem>>)
      %add3A_153 = arith.constant 1024 : i32
      %add3A_154 = arith.addi %mul3A_80, %add3A_153 : i32
      %dma_start3A_155 = arith.constant 1024 : i32
      %dma_start3A_156 = arith.constant 0 : i32
      %dma_start3A_157 = tpu.memref_slice %arg7[%dma_start3A_155, %dma_start3A_156] : memref<1536x64xf32, #tpu.memory_space<vmem>> -> memref<128x64xf32, #tpu.memory_space<vmem>>
      %dma_start3A_158 = tpu.memref_slice %arg6[%add3A_154] : memref<25000xi32, #tpu.memory_space<vmem>> -> memref<128xi32, #tpu.memory_space<vmem>>
      %dma_start3A_159 = arith.constant 0 : i32
      %dma_start3A_160 = arith.constant 0 : i32
      %dma_start3A_161 = tpu.memref_slice %arg2[%dma_start3A_159, %dma_start3A_160] : memref<100000x64xf32, #tpu.memory_space<hbm>> -> memref<100000x64xf32, #tpu.memory_space<hbm>>
      tpu.enqueue_indirect_dma source(%dma_start3A_161 : memref<100000x64xf32, #tpu.memory_space<hbm>>) target(%dma_start3A_157 : memref<128x64xf32, #tpu.memory_space<vmem>>) offsets(%dma_start3A_158 : memref<128xi32, #tpu.memory_space<vmem>>) semaphore(%arg8 : memref<!tpu.dma_semaphore, #tpu.memory_space<semaphore_mem>>)
      %add3A_162 = arith.constant 1152 : i32
      %add3A_163 = arith.addi %mul3A_80, %add3A_162 : i32
      %dma_start3A_164 = arith.constant 1152 : i32
      %dma_start3A_165 = arith.constant 0 : i32
      %dma_start3A_166 = tpu.memref_slice %arg7[%dma_start3A_164, %dma_start3A_165] : memref<1536x64xf32, #tpu.memory_space<vmem>> -> memref<128x64xf32, #tpu.memory_space<vmem>>
      %dma_start3A_167 = tpu.memref_slice %arg6[%add3A_163] : memref<25000xi32, #tpu.memory_space<vmem>> -> memref<128xi32, #tpu.memory_space<vmem>>
      %dma_start3A_168 = arith.constant 0 : i32
      %dma_start3A_169 = arith.constant 0 : i32
      %dma_start3A_170 = tpu.memref_slice %arg2[%dma_start3A_168, %dma_start3A_169] : memref<100000x64xf32, #tpu.memory_space<hbm>> -> memref<100000x64xf32, #tpu.memory_space<hbm>>
      tpu.enqueue_indirect_dma source(%dma_start3A_170 : memref<100000x64xf32, #tpu.memory_space<hbm>>) target(%dma_start3A_166 : memref<128x64xf32, #tpu.memory_space<vmem>>) offsets(%dma_start3A_167 : memref<128xi32, #tpu.memory_space<vmem>>) semaphore(%arg8 : memref<!tpu.dma_semaphore, #tpu.memory_space<semaphore_mem>>)
      %add3A_171 = arith.constant 1280 : i32
      %add3A_172 = arith.addi %mul3A_80, %add3A_171 : i32
      %dma_start3A_173 = arith.constant 1280 : i32
      %dma_start3A_174 = arith.constant 0 : i32
      %dma_start3A_175 = tpu.memref_slice %arg7[%dma_start3A_173, %dma_start3A_174] : memref<1536x64xf32, #tpu.memory_space<vmem>> -> memref<128x64xf32, #tpu.memory_space<vmem>>
      %dma_start3A_176 = tpu.memref_slice %arg6[%add3A_172] : memref<25000xi32, #tpu.memory_space<vmem>> -> memref<128xi32, #tpu.memory_space<vmem>>
      %dma_start3A_177 = arith.constant 0 : i32
      %dma_start3A_178 = arith.constant 0 : i32
      %dma_start3A_179 = tpu.memref_slice %arg2[%dma_start3A_177, %dma_start3A_178] : memref<100000x64xf32, #tpu.memory_space<hbm>> -> memref<100000x64xf32, #tpu.memory_space<hbm>>
      tpu.enqueue_indirect_dma source(%dma_start3A_179 : memref<100000x64xf32, #tpu.memory_space<hbm>>) target(%dma_start3A_175 : memref<128x64xf32, #tpu.memory_space<vmem>>) offsets(%dma_start3A_176 : memref<128xi32, #tpu.memory_space<vmem>>) semaphore(%arg8 : memref<!tpu.dma_semaphore, #tpu.memory_space<semaphore_mem>>)
      %add3A_180 = arith.constant 1408 : i32
      %add3A_181 = arith.addi %mul3A_80, %add3A_180 : i32
      %dma_start3A_182 = arith.constant 1408 : i32
      %dma_start3A_183 = arith.constant 0 : i32
      %dma_start3A_184 = tpu.memref_slice %arg7[%dma_start3A_182, %dma_start3A_183] : memref<1536x64xf32, #tpu.memory_space<vmem>> -> memref<128x64xf32, #tpu.memory_space<vmem>>
      %dma_start3A_185 = tpu.memref_slice %arg6[%add3A_181] : memref<25000xi32, #tpu.memory_space<vmem>> -> memref<128xi32, #tpu.memory_space<vmem>>
      %dma_start3A_186 = arith.constant 0 : i32
      %dma_start3A_187 = arith.constant 0 : i32
      %dma_start3A_188 = tpu.memref_slice %arg2[%dma_start3A_186, %dma_start3A_187] : memref<100000x64xf32, #tpu.memory_space<hbm>> -> memref<100000x64xf32, #tpu.memory_space<hbm>>
      tpu.enqueue_indirect_dma source(%dma_start3A_188 : memref<100000x64xf32, #tpu.memory_space<hbm>>) target(%dma_start3A_184 : memref<128x64xf32, #tpu.memory_space<vmem>>) offsets(%dma_start3A_185 : memref<128xi32, #tpu.memory_space<vmem>>) semaphore(%arg8 : memref<!tpu.dma_semaphore, #tpu.memory_space<semaphore_mem>>)
      %dma_wait3A_189 = arith.constant 0 : i32
      %dma_wait3A_190 = arith.constant 0 : i32
      %dma_wait3A_191 = tpu.memref_slice %arg7[%dma_wait3A_189, %dma_wait3A_190] : memref<1536x64xf32, #tpu.memory_space<vmem>> -> memref<128x64xf32, #tpu.memory_space<vmem>>
      %dma_wait3A_192 = tpu.memref_slice %arg6[%add3A_82] : memref<25000xi32, #tpu.memory_space<vmem>> -> memref<128xi32, #tpu.memory_space<vmem>>
      %dma_wait3A_193 = arith.constant 0 : i32
      %dma_wait3A_194 = arith.constant 0 : i32
      %dma_wait3A_195 = tpu.memref_slice %arg2[%dma_wait3A_193, %dma_wait3A_194] : memref<100000x64xf32, #tpu.memory_space<hbm>> -> memref<100000x64xf32, #tpu.memory_space<hbm>>
      tpu.wait_indirect_dma semaphore(%arg8 : memref<!tpu.dma_semaphore, #tpu.memory_space<semaphore_mem>>) src(%dma_wait3A_195 : memref<100000x64xf32, #tpu.memory_space<hbm>>) dst(%dma_wait3A_191 : memref<128x64xf32, #tpu.memory_space<vmem>>)
      %dma_wait3A_196 = arith.constant 128 : i32
      %dma_wait3A_197 = arith.constant 0 : i32
      %dma_wait3A_198 = tpu.memref_slice %arg7[%dma_wait3A_196, %dma_wait3A_197] : memref<1536x64xf32, #tpu.memory_space<vmem>> -> memref<128x64xf32, #tpu.memory_space<vmem>>
      %dma_wait3A_199 = tpu.memref_slice %arg6[%add3A_91] : memref<25000xi32, #tpu.memory_space<vmem>> -> memref<128xi32, #tpu.memory_space<vmem>>
      %dma_wait3A_200 = arith.constant 0 : i32
      %dma_wait3A_201 = arith.constant 0 : i32
      %dma_wait3A_202 = tpu.memref_slice %arg2[%dma_wait3A_200, %dma_wait3A_201] : memref<100000x64xf32, #tpu.memory_space<hbm>> -> memref<100000x64xf32, #tpu.memory_space<hbm>>
      tpu.wait_indirect_dma semaphore(%arg8 : memref<!tpu.dma_semaphore, #tpu.memory_space<semaphore_mem>>) src(%dma_wait3A_202 : memref<100000x64xf32, #tpu.memory_space<hbm>>) dst(%dma_wait3A_198 : memref<128x64xf32, #tpu.memory_space<vmem>>)
      %dma_wait3A_203 = arith.constant 256 : i32
      %dma_wait3A_204 = arith.constant 0 : i32
      %dma_wait3A_205 = tpu.memref_slice %arg7[%dma_wait3A_203, %dma_wait3A_204] : memref<1536x64xf32, #tpu.memory_space<vmem>> -> memref<128x64xf32, #tpu.memory_space<vmem>>
      %dma_wait3A_206 = tpu.memref_slice %arg6[%add3A_100] : memref<25000xi32, #tpu.memory_space<vmem>> -> memref<128xi32, #tpu.memory_space<vmem>>
      %dma_wait3A_207 = arith.constant 0 : i32
      %dma_wait3A_208 = arith.constant 0 : i32
      %dma_wait3A_209 = tpu.memref_slice %arg2[%dma_wait3A_207, %dma_wait3A_208] : memref<100000x64xf32, #tpu.memory_space<hbm>> -> memref<100000x64xf32, #tpu.memory_space<hbm>>
      tpu.wait_indirect_dma semaphore(%arg8 : memref<!tpu.dma_semaphore, #tpu.memory_space<semaphore_mem>>) src(%dma_wait3A_209 : memref<100000x64xf32, #tpu.memory_space<hbm>>) dst(%dma_wait3A_205 : memref<128x64xf32, #tpu.memory_space<vmem>>)
      %dma_wait3A_210 = arith.constant 384 : i32
      %dma_wait3A_211 = arith.constant 0 : i32
      %dma_wait3A_212 = tpu.memref_slice %arg7[%dma_wait3A_210, %dma_wait3A_211] : memref<1536x64xf32, #tpu.memory_space<vmem>> -> memref<128x64xf32, #tpu.memory_space<vmem>>
      %dma_wait3A_213 = tpu.memref_slice %arg6[%add3A_109] : memref<25000xi32, #tpu.memory_space<vmem>> -> memref<128xi32, #tpu.memory_space<vmem>>
      %dma_wait3A_214 = arith.constant 0 : i32
      %dma_wait3A_215 = arith.constant 0 : i32
      %dma_wait3A_216 = tpu.memref_slice %arg2[%dma_wait3A_214, %dma_wait3A_215] : memref<100000x64xf32, #tpu.memory_space<hbm>> -> memref<100000x64xf32, #tpu.memory_space<hbm>>
      tpu.wait_indirect_dma semaphore(%arg8 : memref<!tpu.dma_semaphore, #tpu.memory_space<semaphore_mem>>) src(%dma_wait3A_216 : memref<100000x64xf32, #tpu.memory_space<hbm>>) dst(%dma_wait3A_212 : memref<128x64xf32, #tpu.memory_space<vmem>>)
      %dma_wait3A_217 = arith.constant 512 : i32
      %dma_wait3A_218 = arith.constant 0 : i32
      %dma_wait3A_219 = tpu.memref_slice %arg7[%dma_wait3A_217, %dma_wait3A_218] : memref<1536x64xf32, #tpu.memory_space<vmem>> -> memref<128x64xf32, #tpu.memory_space<vmem>>
      %dma_wait3A_220 = tpu.memref_slice %arg6[%add3A_118] : memref<25000xi32, #tpu.memory_space<vmem>> -> memref<128xi32, #tpu.memory_space<vmem>>
      %dma_wait3A_221 = arith.constant 0 : i32
      %dma_wait3A_222 = arith.constant 0 : i32
      %dma_wait3A_223 = tpu.memref_slice %arg2[%dma_wait3A_221, %dma_wait3A_222] : memref<100000x64xf32, #tpu.memory_space<hbm>> -> memref<100000x64xf32, #tpu.memory_space<hbm>>
      tpu.wait_indirect_dma semaphore(%arg8 : memref<!tpu.dma_semaphore, #tpu.memory_space<semaphore_mem>>) src(%dma_wait3A_223 : memref<100000x64xf32, #tpu.memory_space<hbm>>) dst(%dma_wait3A_219 : memref<128x64xf32, #tpu.memory_space<vmem>>)
      %dma_wait3A_224 = arith.constant 640 : i32
      %dma_wait3A_225 = arith.constant 0 : i32
      %dma_wait3A_226 = tpu.memref_slice %arg7[%dma_wait3A_224, %dma_wait3A_225] : memref<1536x64xf32, #tpu.memory_space<vmem>> -> memref<128x64xf32, #tpu.memory_space<vmem>>
      %dma_wait3A_227 = tpu.memref_slice %arg6[%add3A_127] : memref<25000xi32, #tpu.memory_space<vmem>> -> memref<128xi32, #tpu.memory_space<vmem>>
      %dma_wait3A_228 = arith.constant 0 : i32
      %dma_wait3A_229 = arith.constant 0 : i32
      %dma_wait3A_230 = tpu.memref_slice %arg2[%dma_wait3A_228, %dma_wait3A_229] : memref<100000x64xf32, #tpu.memory_space<hbm>> -> memref<100000x64xf32, #tpu.memory_space<hbm>>
      tpu.wait_indirect_dma semaphore(%arg8 : memref<!tpu.dma_semaphore, #tpu.memory_space<semaphore_mem>>) src(%dma_wait3A_230 : memref<100000x64xf32, #tpu.memory_space<hbm>>) dst(%dma_wait3A_226 : memref<128x64xf32, #tpu.memory_space<vmem>>)
      %dma_wait3A_231 = arith.constant 768 : i32
      %dma_wait3A_232 = arith.constant 0 : i32
      %dma_wait3A_233 = tpu.memref_slice %arg7[%dma_wait3A_231, %dma_wait3A_232] : memref<1536x64xf32, #tpu.memory_space<vmem>> -> memref<128x64xf32, #tpu.memory_space<vmem>>
      %dma_wait3A_234 = tpu.memref_slice %arg6[%add3A_136] : memref<25000xi32, #tpu.memory_space<vmem>> -> memref<128xi32, #tpu.memory_space<vmem>>
      %dma_wait3A_235 = arith.constant 0 : i32
      %dma_wait3A_236 = arith.constant 0 : i32
      %dma_wait3A_237 = tpu.memref_slice %arg2[%dma_wait3A_235, %dma_wait3A_236] : memref<100000x64xf32, #tpu.memory_space<hbm>> -> memref<100000x64xf32, #tpu.memory_space<hbm>>
      tpu.wait_indirect_dma semaphore(%arg8 : memref<!tpu.dma_semaphore, #tpu.memory_space<semaphore_mem>>) src(%dma_wait3A_237 : memref<100000x64xf32, #tpu.memory_space<hbm>>) dst(%dma_wait3A_233 : memref<128x64xf32, #tpu.memory_space<vmem>>)
      %dma_wait3A_238 = arith.constant 896 : i32
      %dma_wait3A_239 = arith.constant 0 : i32
      %dma_wait3A_240 = tpu.memref_slice %arg7[%dma_wait3A_238, %dma_wait3A_239] : memref<1536x64xf32, #tpu.memory_space<vmem>> -> memref<128x64xf32, #tpu.memory_space<vmem>>
      %dma_wait3A_241 = tpu.memref_slice %arg6[%add3A_145] : memref<25000xi32, #tpu.memory_space<vmem>> -> memref<128xi32, #tpu.memory_space<vmem>>
      %dma_wait3A_242 = arith.constant 0 : i32
      %dma_wait3A_243 = arith.constant 0 : i32
      %dma_wait3A_244 = tpu.memref_slice %arg2[%dma_wait3A_242, %dma_wait3A_243] : memref<100000x64xf32, #tpu.memory_space<hbm>> -> memref<100000x64xf32, #tpu.memory_space<hbm>>
      tpu.wait_indirect_dma semaphore(%arg8 : memref<!tpu.dma_semaphore, #tpu.memory_space<semaphore_mem>>) src(%dma_wait3A_244 : memref<100000x64xf32, #tpu.memory_space<hbm>>) dst(%dma_wait3A_240 : memref<128x64xf32, #tpu.memory_space<vmem>>)
      %dma_wait3A_245 = arith.constant 1024 : i32
      %dma_wait3A_246 = arith.constant 0 : i32
      %dma_wait3A_247 = tpu.memref_slice %arg7[%dma_wait3A_245, %dma_wait3A_246] : memref<1536x64xf32, #tpu.memory_space<vmem>> -> memref<128x64xf32, #tpu.memory_space<vmem>>
      %dma_wait3A_248 = tpu.memref_slice %arg6[%add3A_154] : memref<25000xi32, #tpu.memory_space<vmem>> -> memref<128xi32, #tpu.memory_space<vmem>>
      %dma_wait3A_249 = arith.constant 0 : i32
      %dma_wait3A_250 = arith.constant 0 : i32
      %dma_wait3A_251 = tpu.memref_slice %arg2[%dma_wait3A_249, %dma_wait3A_250] : memref<100000x64xf32, #tpu.memory_space<hbm>> -> memref<100000x64xf32, #tpu.memory_space<hbm>>
      tpu.wait_indirect_dma semaphore(%arg8 : memref<!tpu.dma_semaphore, #tpu.memory_space<semaphore_mem>>) src(%dma_wait3A_251 : memref<100000x64xf32, #tpu.memory_space<hbm>>) dst(%dma_wait3A_247 : memref<128x64xf32, #tpu.memory_space<vmem>>)
      %dma_wait3A_252 = arith.constant 1152 : i32
      %dma_wait3A_253 = arith.constant 0 : i32
      %dma_wait3A_254 = tpu.memref_slice %arg7[%dma_wait3A_252, %dma_wait3A_253] : memref<1536x64xf32, #tpu.memory_space<vmem>> -> memref<128x64xf32, #tpu.memory_space<vmem>>
      %dma_wait3A_255 = tpu.memref_slice %arg6[%add3A_163] : memref<25000xi32, #tpu.memory_space<vmem>> -> memref<128xi32, #tpu.memory_space<vmem>>
      %dma_wait3A_256 = arith.constant 0 : i32
      %dma_wait3A_257 = arith.constant 0 : i32
      %dma_wait3A_258 = tpu.memref_slice %arg2[%dma_wait3A_256, %dma_wait3A_257] : memref<100000x64xf32, #tpu.memory_space<hbm>> -> memref<100000x64xf32, #tpu.memory_space<hbm>>
      tpu.wait_indirect_dma semaphore(%arg8 : memref<!tpu.dma_semaphore, #tpu.memory_space<semaphore_mem>>) src(%dma_wait3A_258 : memref<100000x64xf32, #tpu.memory_space<hbm>>) dst(%dma_wait3A_254 : memref<128x64xf32, #tpu.memory_space<vmem>>)
      %dma_wait3A_259 = arith.constant 1280 : i32
      %dma_wait3A_260 = arith.constant 0 : i32
      %dma_wait3A_261 = tpu.memref_slice %arg7[%dma_wait3A_259, %dma_wait3A_260] : memref<1536x64xf32, #tpu.memory_space<vmem>> -> memref<128x64xf32, #tpu.memory_space<vmem>>
      %dma_wait3A_262 = tpu.memref_slice %arg6[%add3A_172] : memref<25000xi32, #tpu.memory_space<vmem>> -> memref<128xi32, #tpu.memory_space<vmem>>
      %dma_wait3A_263 = arith.constant 0 : i32
      %dma_wait3A_264 = arith.constant 0 : i32
      %dma_wait3A_265 = tpu.memref_slice %arg2[%dma_wait3A_263, %dma_wait3A_264] : memref<100000x64xf32, #tpu.memory_space<hbm>> -> memref<100000x64xf32, #tpu.memory_space<hbm>>
      tpu.wait_indirect_dma semaphore(%arg8 : memref<!tpu.dma_semaphore, #tpu.memory_space<semaphore_mem>>) src(%dma_wait3A_265 : memref<100000x64xf32, #tpu.memory_space<hbm>>) dst(%dma_wait3A_261 : memref<128x64xf32, #tpu.memory_space<vmem>>)
      %dma_wait3A_266 = arith.constant 1408 : i32
      %dma_wait3A_267 = arith.constant 0 : i32
      %dma_wait3A_268 = tpu.memref_slice %arg7[%dma_wait3A_266, %dma_wait3A_267] : memref<1536x64xf32, #tpu.memory_space<vmem>> -> memref<128x64xf32, #tpu.memory_space<vmem>>
      %dma_wait3A_269 = tpu.memref_slice %arg6[%add3A_181] : memref<25000xi32, #tpu.memory_space<vmem>> -> memref<128xi32, #tpu.memory_space<vmem>>
      %dma_wait3A_270 = arith.constant 0 : i32
      %dma_wait3A_271 = arith.constant 0 : i32
      %dma_wait3A_272 = tpu.memref_slice %arg2[%dma_wait3A_270, %dma_wait3A_271] : memref<100000x64xf32, #tpu.memory_space<hbm>> -> memref<100000x64xf32, #tpu.memory_space<hbm>>
      tpu.wait_indirect_dma semaphore(%arg8 : memref<!tpu.dma_semaphore, #tpu.memory_space<semaphore_mem>>) src(%dma_wait3A_272 : memref<100000x64xf32, #tpu.memory_space<hbm>>) dst(%dma_wait3A_268 : memref<128x64xf32, #tpu.memory_space<vmem>>)
      %add3A_273 = arith.addi %mul3A_2, %mul3A_80 : i32
      "tpu.region"() ({
        %run_scoped3A = tpu.sem_alloc : memref<!tpu.dma_semaphore, #tpu.memory_space<semaphore_mem>>
        %dma_start3A_274 = arith.constant 0 : i32
        %dma_start3A_275 = arith.constant 0 : i32
        %dma_start3A_276 = tpu.memref_slice %arg7[%dma_start3A_274, %dma_start3A_275] : memref<1536x64xf32, #tpu.memory_space<vmem>> -> memref<1536x64xf32, #tpu.memory_space<vmem>>
        %dma_start3A_277 = arith.constant 0 : i32
        %dma_start3A_278 = tpu.memref_slice %arg5[%add3A_273, %dma_start3A_277] : memref<800000x64xf32, #tpu.memory_space<hbm>> -> memref<1536x64xf32, #tpu.memory_space<hbm>>
        %dma_start3A_279 = arith.constant 0 : i32
        %dma_start3A_280 = tpu.memref_slice %arg5[%add3A_273, %dma_start3A_279] : memref<800000x64xf32, #tpu.memory_space<hbm>> -> memref<1536x64xf32, #tpu.memory_space<hbm>>
        %dma_start3A_281 = arith.constant 0 : i32
        %dma_start3A_282 = arith.constant 0 : i32
        %dma_start3A_283 = tpu.memref_slice %arg7[%dma_start3A_281, %dma_start3A_282] : memref<1536x64xf32, #tpu.memory_space<vmem>> -> memref<1536x64xf32, #tpu.memory_space<vmem>>
        tpu.enqueue_dma source(%dma_start3A_283 : memref<1536x64xf32, #tpu.memory_space<vmem>>) target(%dma_start3A_280 : memref<1536x64xf32, #tpu.memory_space<hbm>>) target_semaphore(%run_scoped3A : memref<!tpu.dma_semaphore, #tpu.memory_space<semaphore_mem>>)
        %dma_wait3A_284 = arith.constant 0 : i32
        %dma_wait3A_285 = arith.constant 0 : i32
        %dma_wait3A_286 = tpu.memref_slice %arg7[%dma_wait3A_284, %dma_wait3A_285] : memref<1536x64xf32, #tpu.memory_space<vmem>> -> memref<1536x64xf32, #tpu.memory_space<vmem>>
        %dma_wait3A_287 = arith.constant 0 : i32
        %dma_wait3A_288 = tpu.memref_slice %arg5[%add3A_273, %dma_wait3A_287] : memref<800000x64xf32, #tpu.memory_space<hbm>> -> memref<1536x64xf32, #tpu.memory_space<hbm>>
        %dma_wait3A_289 = arith.constant 0 : i32
        %dma_wait3A_290 = tpu.memref_slice %arg5[%add3A_273, %dma_wait3A_289] : memref<800000x64xf32, #tpu.memory_space<hbm>> -> memref<1536x64xf32, #tpu.memory_space<hbm>>
        %dma_wait3A_291 = arith.constant 0 : i32
        %dma_wait3A_292 = arith.constant 0 : i32
        %dma_wait3A_293 = tpu.memref_slice %arg7[%dma_wait3A_291, %dma_wait3A_292] : memref<1536x64xf32, #tpu.memory_space<vmem>> -> memref<1536x64xf32, #tpu.memory_space<vmem>>
        tpu.wait_dma2 semaphore(%run_scoped3A : memref<!tpu.dma_semaphore, #tpu.memory_space<semaphore_mem>>) src(%dma_wait3A_293 : memref<1536x64xf32, #tpu.memory_space<vmem>>) dst(%dma_wait3A_290 : memref<1536x64xf32, #tpu.memory_space<hbm>>)
        tpu.yield
      }) : () -> ()
    }
    %scan3A_13 = arith.constant 16 : i32
    %dma_start3A = arith.constant 0 : i32
    %dma_start3A_14 = arith.constant 0 : i32
    %dma_start3A_15 = tpu.memref_slice %arg7[%dma_start3A, %dma_start3A_14] : memref<1536x64xf32, #tpu.memory_space<vmem>> -> memref<128x64xf32, #tpu.memory_space<vmem>>
    %dma_start3A_16 = arith.constant 24576 : i32
    %dma_start3A_17 = tpu.memref_slice %arg6[%dma_start3A_16] : memref<25000xi32, #tpu.memory_space<vmem>> -> memref<128xi32, #tpu.memory_space<vmem>>
    %dma_start3A_18 = arith.constant 0 : i32
    %dma_start3A_19 = arith.constant 0 : i32
    %dma_start3A_20 = tpu.memref_slice %arg2[%dma_start3A_18, %dma_start3A_19] : memref<100000x64xf32, #tpu.memory_space<hbm>> -> memref<100000x64xf32, #tpu.memory_space<hbm>>
    tpu.enqueue_indirect_dma source(%dma_start3A_20 : memref<100000x64xf32, #tpu.memory_space<hbm>>) target(%dma_start3A_15 : memref<128x64xf32, #tpu.memory_space<vmem>>) offsets(%dma_start3A_17 : memref<128xi32, #tpu.memory_space<vmem>>) semaphore(%arg8 : memref<!tpu.dma_semaphore, #tpu.memory_space<semaphore_mem>>)
    %dma_start3A_21 = arith.constant 128 : i32
    %dma_start3A_22 = arith.constant 0 : i32
    %dma_start3A_23 = tpu.memref_slice %arg7[%dma_start3A_21, %dma_start3A_22] : memref<1536x64xf32, #tpu.memory_space<vmem>> -> memref<128x64xf32, #tpu.memory_space<vmem>>
    %dma_start3A_24 = arith.constant 24704 : i32
    %dma_start3A_25 = tpu.memref_slice %arg6[%dma_start3A_24] : memref<25000xi32, #tpu.memory_space<vmem>> -> memref<128xi32, #tpu.memory_space<vmem>>
    %dma_start3A_26 = arith.constant 0 : i32
    %dma_start3A_27 = arith.constant 0 : i32
    %dma_start3A_28 = tpu.memref_slice %arg2[%dma_start3A_26, %dma_start3A_27] : memref<100000x64xf32, #tpu.memory_space<hbm>> -> memref<100000x64xf32, #tpu.memory_space<hbm>>
    tpu.enqueue_indirect_dma source(%dma_start3A_28 : memref<100000x64xf32, #tpu.memory_space<hbm>>) target(%dma_start3A_23 : memref<128x64xf32, #tpu.memory_space<vmem>>) offsets(%dma_start3A_25 : memref<128xi32, #tpu.memory_space<vmem>>) semaphore(%arg8 : memref<!tpu.dma_semaphore, #tpu.memory_space<semaphore_mem>>)
    %dma_start3A_29 = arith.constant 256 : i32
    %dma_start3A_30 = arith.constant 0 : i32
    %dma_start3A_31 = tpu.memref_slice %arg7[%dma_start3A_29, %dma_start3A_30] : memref<1536x64xf32, #tpu.memory_space<vmem>> -> memref<128x64xf32, #tpu.memory_space<vmem>>
    %dma_start3A_32 = arith.constant 24832 : i32
    %dma_start3A_33 = tpu.memref_slice %arg6[%dma_start3A_32] : memref<25000xi32, #tpu.memory_space<vmem>> -> memref<128xi32, #tpu.memory_space<vmem>>
    %dma_start3A_34 = arith.constant 0 : i32
    %dma_start3A_35 = arith.constant 0 : i32
    %dma_start3A_36 = tpu.memref_slice %arg2[%dma_start3A_34, %dma_start3A_35] : memref<100000x64xf32, #tpu.memory_space<hbm>> -> memref<100000x64xf32, #tpu.memory_space<hbm>>
    tpu.enqueue_indirect_dma source(%dma_start3A_36 : memref<100000x64xf32, #tpu.memory_space<hbm>>) target(%dma_start3A_31 : memref<128x64xf32, #tpu.memory_space<vmem>>) offsets(%dma_start3A_33 : memref<128xi32, #tpu.memory_space<vmem>>) semaphore(%arg8 : memref<!tpu.dma_semaphore, #tpu.memory_space<semaphore_mem>>)
    %dma_start3A_37 = arith.constant 384 : i32
    %dma_start3A_38 = arith.constant 0 : i32
    %dma_start3A_39 = tpu.memref_slice %arg7[%dma_start3A_37, %dma_start3A_38] : memref<1536x64xf32, #tpu.memory_space<vmem>> -> memref<40x64xf32, #tpu.memory_space<vmem>>
    %dma_start3A_40 = arith.constant 24960 : i32
    %dma_start3A_41 = tpu.memref_slice %arg6[%dma_start3A_40] : memref<25000xi32, #tpu.memory_space<vmem>> -> memref<40xi32, #tpu.memory_space<vmem>>
    %dma_start3A_42 = arith.constant 0 : i32
    %dma_start3A_43 = arith.constant 0 : i32
    %dma_start3A_44 = tpu.memref_slice %arg2[%dma_start3A_42, %dma_start3A_43] : memref<100000x64xf32, #tpu.memory_space<hbm>> -> memref<100000x64xf32, #tpu.memory_space<hbm>>
    tpu.enqueue_indirect_dma source(%dma_start3A_44 : memref<100000x64xf32, #tpu.memory_space<hbm>>) target(%dma_start3A_39 : memref<40x64xf32, #tpu.memory_space<vmem>>) offsets(%dma_start3A_41 : memref<40xi32, #tpu.memory_space<vmem>>) semaphore(%arg8 : memref<!tpu.dma_semaphore, #tpu.memory_space<semaphore_mem>>)
    %dma_wait3A = arith.constant 0 : i32
    %dma_wait3A_45 = arith.constant 0 : i32
    %dma_wait3A_46 = tpu.memref_slice %arg7[%dma_wait3A, %dma_wait3A_45] : memref<1536x64xf32, #tpu.memory_space<vmem>> -> memref<128x64xf32, #tpu.memory_space<vmem>>
    %dma_wait3A_47 = arith.constant 24576 : i32
    %dma_wait3A_48 = tpu.memref_slice %arg6[%dma_wait3A_47] : memref<25000xi32, #tpu.memory_space<vmem>> -> memref<128xi32, #tpu.memory_space<vmem>>
    %dma_wait3A_49 = arith.constant 0 : i32
    %dma_wait3A_50 = arith.constant 0 : i32
    %dma_wait3A_51 = tpu.memref_slice %arg2[%dma_wait3A_49, %dma_wait3A_50] : memref<100000x64xf32, #tpu.memory_space<hbm>> -> memref<100000x64xf32, #tpu.memory_space<hbm>>
    tpu.wait_indirect_dma semaphore(%arg8 : memref<!tpu.dma_semaphore, #tpu.memory_space<semaphore_mem>>) src(%dma_wait3A_51 : memref<100000x64xf32, #tpu.memory_space<hbm>>) dst(%dma_wait3A_46 : memref<128x64xf32, #tpu.memory_space<vmem>>)
    %dma_wait3A_52 = arith.constant 128 : i32
    %dma_wait3A_53 = arith.constant 0 : i32
    %dma_wait3A_54 = tpu.memref_slice %arg7[%dma_wait3A_52, %dma_wait3A_53] : memref<1536x64xf32, #tpu.memory_space<vmem>> -> memref<128x64xf32, #tpu.memory_space<vmem>>
    %dma_wait3A_55 = arith.constant 24704 : i32
    %dma_wait3A_56 = tpu.memref_slice %arg6[%dma_wait3A_55] : memref<25000xi32, #tpu.memory_space<vmem>> -> memref<128xi32, #tpu.memory_space<vmem>>
    %dma_wait3A_57 = arith.constant 0 : i32
    %dma_wait3A_58 = arith.constant 0 : i32
    %dma_wait3A_59 = tpu.memref_slice %arg2[%dma_wait3A_57, %dma_wait3A_58] : memref<100000x64xf32, #tpu.memory_space<hbm>> -> memref<100000x64xf32, #tpu.memory_space<hbm>>
    tpu.wait_indirect_dma semaphore(%arg8 : memref<!tpu.dma_semaphore, #tpu.memory_space<semaphore_mem>>) src(%dma_wait3A_59 : memref<100000x64xf32, #tpu.memory_space<hbm>>) dst(%dma_wait3A_54 : memref<128x64xf32, #tpu.memory_space<vmem>>)
    %dma_wait3A_60 = arith.constant 256 : i32
    %dma_wait3A_61 = arith.constant 0 : i32
    %dma_wait3A_62 = tpu.memref_slice %arg7[%dma_wait3A_60, %dma_wait3A_61] : memref<1536x64xf32, #tpu.memory_space<vmem>> -> memref<128x64xf32, #tpu.memory_space<vmem>>
    %dma_wait3A_63 = arith.constant 24832 : i32
    %dma_wait3A_64 = tpu.memref_slice %arg6[%dma_wait3A_63] : memref<25000xi32, #tpu.memory_space<vmem>> -> memref<128xi32, #tpu.memory_space<vmem>>
    %dma_wait3A_65 = arith.constant 0 : i32
    %dma_wait3A_66 = arith.constant 0 : i32
    %dma_wait3A_67 = tpu.memref_slice %arg2[%dma_wait3A_65, %dma_wait3A_66] : memref<100000x64xf32, #tpu.memory_space<hbm>> -> memref<100000x64xf32, #tpu.memory_space<hbm>>
    tpu.wait_indirect_dma semaphore(%arg8 : memref<!tpu.dma_semaphore, #tpu.memory_space<semaphore_mem>>) src(%dma_wait3A_67 : memref<100000x64xf32, #tpu.memory_space<hbm>>) dst(%dma_wait3A_62 : memref<128x64xf32, #tpu.memory_space<vmem>>)
    %dma_wait3A_68 = arith.constant 384 : i32
    %dma_wait3A_69 = arith.constant 0 : i32
    %dma_wait3A_70 = tpu.memref_slice %arg7[%dma_wait3A_68, %dma_wait3A_69] : memref<1536x64xf32, #tpu.memory_space<vmem>> -> memref<40x64xf32, #tpu.memory_space<vmem>>
    %dma_wait3A_71 = arith.constant 24960 : i32
    %dma_wait3A_72 = tpu.memref_slice %arg6[%dma_wait3A_71] : memref<25000xi32, #tpu.memory_space<vmem>> -> memref<40xi32, #tpu.memory_space<vmem>>
    %dma_wait3A_73 = arith.constant 0 : i32
    %dma_wait3A_74 = arith.constant 0 : i32
    %dma_wait3A_75 = tpu.memref_slice %arg2[%dma_wait3A_73, %dma_wait3A_74] : memref<100000x64xf32, #tpu.memory_space<hbm>> -> memref<100000x64xf32, #tpu.memory_space<hbm>>
    tpu.wait_indirect_dma semaphore(%arg8 : memref<!tpu.dma_semaphore, #tpu.memory_space<semaphore_mem>>) src(%dma_wait3A_75 : memref<100000x64xf32, #tpu.memory_space<hbm>>) dst(%dma_wait3A_70 : memref<40x64xf32, #tpu.memory_space<vmem>>)
    %add3A_76 = arith.constant 24576 : i32
    %add3A_77 = arith.addi %mul3A_2, %add3A_76 : i32
    "tpu.region"() ({
      %run_scoped3A = tpu.sem_alloc : memref<!tpu.dma_semaphore, #tpu.memory_space<semaphore_mem>>
      %dma_start3A_78 = arith.constant 0 : i32
      %dma_start3A_79 = arith.constant 0 : i32
      %dma_start3A_80 = tpu.memref_slice %arg7[%dma_start3A_78, %dma_start3A_79] : memref<1536x64xf32, #tpu.memory_space<vmem>> -> memref<424x64xf32, #tpu.memory_space<vmem>>
      %dma_start3A_81 = arith.constant 0 : i32
      %dma_start3A_82 = tpu.memref_slice %arg5[%add3A_77, %dma_start3A_81] : memref<800000x64xf32, #tpu.memory_space<hbm>> -> memref<424x64xf32, #tpu.memory_space<hbm>>
      %dma_start3A_83 = arith.constant 0 : i32
      %dma_start3A_84 = tpu.memref_slice %arg5[%add3A_77, %dma_start3A_83] : memref<800000x64xf32, #tpu.memory_space<hbm>> -> memref<424x64xf32, #tpu.memory_space<hbm>>
      %dma_start3A_85 = arith.constant 0 : i32
      %dma_start3A_86 = arith.constant 0 : i32
      %dma_start3A_87 = tpu.memref_slice %arg7[%dma_start3A_85, %dma_start3A_86] : memref<1536x64xf32, #tpu.memory_space<vmem>> -> memref<424x64xf32, #tpu.memory_space<vmem>>
      tpu.enqueue_dma source(%dma_start3A_87 : memref<424x64xf32, #tpu.memory_space<vmem>>) target(%dma_start3A_84 : memref<424x64xf32, #tpu.memory_space<hbm>>) target_semaphore(%run_scoped3A : memref<!tpu.dma_semaphore, #tpu.memory_space<semaphore_mem>>)
      %dma_wait3A_88 = arith.constant 0 : i32
      %dma_wait3A_89 = arith.constant 0 : i32
      %dma_wait3A_90 = tpu.memref_slice %arg7[%dma_wait3A_88, %dma_wait3A_89] : memref<1536x64xf32, #tpu.memory_space<vmem>> -> memref<424x64xf32, #tpu.memory_space<vmem>>
      %dma_wait3A_91 = arith.constant 0 : i32
      %dma_wait3A_92 = tpu.memref_slice %arg5[%add3A_77, %dma_wait3A_91] : memref<800000x64xf32, #tpu.memory_space<hbm>> -> memref<424x64xf32, #tpu.memory_space<hbm>>
      %dma_wait3A_93 = arith.constant 0 : i32
      %dma_wait3A_94 = tpu.memref_slice %arg5[%add3A_77, %dma_wait3A_93] : memref<800000x64xf32, #tpu.memory_space<hbm>> -> memref<424x64xf32, #tpu.memory_space<hbm>>
      %dma_wait3A_95 = arith.constant 0 : i32
      %dma_wait3A_96 = arith.constant 0 : i32
      %dma_wait3A_97 = tpu.memref_slice %arg7[%dma_wait3A_95, %dma_wait3A_96] : memref<1536x64xf32, #tpu.memory_space<vmem>> -> memref<424x64xf32, #tpu.memory_space<vmem>>
      tpu.wait_dma2 semaphore(%run_scoped3A : memref<!tpu.dma_semaphore, #tpu.memory_space<semaphore_mem>>) src(%dma_wait3A_97 : memref<424x64xf32, #tpu.memory_space<vmem>>) dst(%dma_wait3A_94 : memref<424x64xf32, #tpu.memory_space<hbm>>)
      tpu.yield
    }) : () -> ()
    return
  }
}

module attributes {stable_mosaic.version = 14 : i64} {
  func.func @_pack_body(%arg0: i32, %arg1: memref<4000x40xf32, #tpu.memory_space<vmem>>, %arg2: memref<2000x128xf32, #tpu.memory_space<vmem>>) attributes {dimension_semantics = [#tpu.dimension_semantics<arbitrary>], iteration_bounds = array<i64: 25>, scalar_prefetch = 0 : i64, scratch_operands = 0 : i64, tpu.core_type = #tpu.core_type<tc>, window_params = [{transform_indices = @transform_0, window_bounds = array<i64: 4000, 40>}, {transform_indices = @transform_1, window_bounds = array<i64: 2000, 128>}]} {
    %get3A = arith.constant 0 : index
    %get3A_0 = arith.constant 0 : index
    %get3A_1 = vector.load %arg1[%get3A, %get3A_0] : memref<4000x40xf32, #tpu.memory_space<vmem>>, vector<4000x40xf32>
    %reshape3A = vector.shape_cast %get3A_1 : vector<4000x40xf32> to vector<2000x2x40xf32>
    %broadcast_in_dim3A = arith.constant 0.000000e+00 : f32
    %broadcast_in_dim3A_2 = vector.broadcast %broadcast_in_dim3A : f32 to vector<2000x24xf32>
    %slice3A = vector.extract_strided_slice %reshape3A {offsets = [0, 0, 0], sizes = [2000, 1, 40], strides = [1, 1, 1]} : vector<2000x2x40xf32> to vector<2000x1x40xf32>
    %squeeze3A = vector.shape_cast %slice3A : vector<2000x1x40xf32> to vector<2000x40xf32>
    %slice3A_3 = vector.extract_strided_slice %reshape3A {offsets = [0, 1, 0], sizes = [2000, 1, 40], strides = [1, 1, 1]} : vector<2000x2x40xf32> to vector<2000x1x40xf32>
    %squeeze3A_4 = vector.shape_cast %slice3A_3 : vector<2000x1x40xf32> to vector<2000x40xf32>
    %concatenate3A = tpu.concatenate %squeeze3A, %broadcast_in_dim3A_2, %squeeze3A_4, %broadcast_in_dim3A_2 in 1 : vector<2000x40xf32>, vector<2000x24xf32>, vector<2000x40xf32>, vector<2000x24xf32> -> vector<2000x128xf32>
    %swap3A = arith.constant 0 : index
    %swap3A_5 = arith.constant 0 : index
    %swap3A_6 = vector.load %arg2[%swap3A, %swap3A_5] : memref<2000x128xf32, #tpu.memory_space<vmem>>, vector<2000x128xf32>
    tpu.vector_store %arg2[%swap3A, %swap3A_5], %concatenate3A {strides = array<i32>} : memref<2000x128xf32, #tpu.memory_space<vmem>>, vector<2000x128xf32>,
    return
  }
  func.func @transform_0(%arg0: i32) -> (i32, i32) {
    %c0_i32 = arith.constant 0 : i32
    %c0_i32_0 = arith.constant 0 : i32
    return %arg0, %c0_i32 : i32, i32
  }
  func.func @transform_1(%arg0: i32) -> (i32, i32) {
    %c0_i32 = arith.constant 0 : i32
    %c0_i32_0 = arith.constant 0 : i32
    return %arg0, %c0_i32 : i32, i32
  }
}

module attributes {stable_mosaic.version = 14 : i64} {
  func.func @_idx_body(%arg0: i32, %arg1: memref<3125x128xi32, #tpu.memory_space<vmem>>, %arg2: memref<3125x128xi32, #tpu.memory_space<vmem>>) attributes {dimension_semantics = [#tpu.dimension_semantics<arbitrary>], iteration_bounds = array<i64: 1>, scalar_prefetch = 0 : i64, scratch_operands = 0 : i64, tpu.core_type = #tpu.core_type<tc>, window_params = [{pipeline_mode = #tpu.pipeline_mode<synchronous>, transform_indices = @transform_0, window_bounds = array<i64: 3125, 128>}, {pipeline_mode = #tpu.pipeline_mode<synchronous>, transform_indices = @transform_1, window_bounds = array<i64: 3125, 128>}]} {
    %iota3A = tpu.iota {dimensions = array<i32: 0>} : vector<3125x128xi32>
    %iota3A_0 = tpu.iota {dimensions = array<i32: 1>} : vector<3125x128xi32>
    %mul3A = arith.constant 128 : i32
    %mul3A_1 = vector.broadcast %mul3A : i32 to vector<3125x128xi32>
    %mul3A_2 = arith.muli %iota3A, %mul3A_1 : vector<3125x128xi32>
    %add3A = arith.addi %mul3A_2, %iota3A_0 : vector<3125x128xi32>
    %ge3A = arith.constant 200000 : i32
    %ge3A_3 = vector.broadcast %ge3A : i32 to vector<3125x128xi32>
    %ge3A_4 = arith.cmpi uge, %add3A, %ge3A_3 : vector<3125x128xi32>
    %convert_element_type3A = arith.extui %ge3A_4 : vector<3125x128xi1> to vector<3125x128xi32>
    %mul3A_5 = arith.constant 200000 : i32
    %mul3A_6 = vector.broadcast %mul3A_5 : i32 to vector<3125x128xi32>
    %mul3A_7 = arith.muli %convert_element_type3A, %mul3A_6 : vector<3125x128xi32>
    %sub3A = arith.subi %add3A, %mul3A_7 : vector<3125x128xi32>
    %ge3A_8 = arith.constant 100000 : i32
    %ge3A_9 = vector.broadcast %ge3A_8 : i32 to vector<3125x128xi32>
    %ge3A_10 = arith.cmpi uge, %sub3A, %ge3A_9 : vector<3125x128xi32>
    %convert_element_type3A_11 = arith.extui %ge3A_10 : vector<3125x128xi1> to vector<3125x128xi32>
    %mul3A_12 = arith.constant 100000 : i32
    %mul3A_13 = vector.broadcast %mul3A_12 : i32 to vector<3125x128xi32>
    %mul3A_14 = arith.muli %convert_element_type3A_11, %mul3A_13 : vector<3125x128xi32>
    %sub3A_15 = arith.subi %sub3A, %mul3A_14 : vector<3125x128xi32>
    %shift_right_logical3A = arith.constant 1 : i32
    %shift_right_logical3A_16 = vector.broadcast %shift_right_logical3A : i32 to vector<3125x128xi32>
    %shift_right_logical3A_17 = arith.shrui %sub3A_15, %shift_right_logical3A_16 : vector<3125x128xi32>
    %and3A = arith.constant 1 : i32
    %and3A_18 = vector.broadcast %and3A : i32 to vector<3125x128xi32>
    %and3A_19 = arith.andi %sub3A_15, %and3A_18 : vector<3125x128xi32>
    %mul3A_20 = arith.constant 50000 : i32
    %mul3A_21 = vector.broadcast %mul3A_20 : i32 to vector<3125x128xi32>
    %mul3A_22 = arith.muli %convert_element_type3A_11, %mul3A_21 : vector<3125x128xi32>
    %add3A_23 = arith.addi %mul3A_22, %shift_right_logical3A_17 : vector<3125x128xi32>
    %mul3A_24 = arith.constant 4 : i32
    %mul3A_25 = vector.broadcast %mul3A_24 : i32 to vector<3125x128xi32>
    %mul3A_26 = arith.muli %add3A_23, %mul3A_25 : vector<3125x128xi32>
    %mul3A_27 = arith.constant 2 : i32
    %mul3A_28 = vector.broadcast %mul3A_27 : i32 to vector<3125x128xi32>
    %mul3A_29 = arith.muli %convert_element_type3A, %mul3A_28 : vector<3125x128xi32>
    %add3A_30 = arith.addi %mul3A_26, %mul3A_29 : vector<3125x128xi32>
    %add3A_31 = arith.addi %add3A_30, %and3A_19 : vector<3125x128xi32>
    %broadcast_in_dim3A = arith.constant 0 : i32
    %broadcast_in_dim3A_32 = vector.broadcast %broadcast_in_dim3A : i32 to vector<3125x128xi32>
    %add3A_33 = arith.constant 507451445 : i32
    %add3A_34 = vector.broadcast %add3A_33 : i32 to vector<3125x128xi32>
    %add3A_35 = arith.addi %broadcast_in_dim3A_32, %add3A_34 : vector<3125x128xi32>
    %add3A_36 = arith.constant 1853169794 : i32
    %add3A_37 = vector.broadcast %add3A_36 : i32 to vector<3125x128xi32>
    %add3A_38 = arith.addi %add3A_31, %add3A_37 : vector<3125x128xi32>
    %add3A_39 = arith.addi %add3A_35, %add3A_38 : vector<3125x128xi32>
    %shift_left3A = arith.constant 13 : i32
    %shift_left3A_40 = vector.broadcast %shift_left3A : i32 to vector<3125x128xi32>
    %shift_left3A_41 = arith.shli %add3A_38, %shift_left3A_40 : vector<3125x128xi32>
    %shift_right_logical3A_42 = arith.constant 19 : i32
    %shift_right_logical3A_43 = vector.broadcast %shift_right_logical3A_42 : i32 to vector<3125x128xi32>
    %shift_right_logical3A_44 = arith.shrui %add3A_38, %shift_right_logical3A_43 : vector<3125x128xi32>
    %or3A = arith.ori %shift_left3A_41, %shift_right_logical3A_44 : vector<3125x128xi32>
    %xor3A = arith.xori %add3A_39, %or3A : vector<3125x128xi32>
    %add3A_45 = arith.addi %add3A_39, %xor3A : vector<3125x128xi32>
    %shift_left3A_46 = arith.constant 15 : i32
    %shift_left3A_47 = vector.broadcast %shift_left3A_46 : i32 to vector<3125x128xi32>
    %shift_left3A_48 = arith.shli %xor3A, %shift_left3A_47 : vector<3125x128xi32>
    %shift_right_logical3A_49 = arith.constant 17 : i32
    %shift_right_logical3A_50 = vector.broadcast %shift_right_logical3A_49 : i32 to vector<3125x128xi32>
    %shift_right_logical3A_51 = arith.shrui %xor3A, %shift_right_logical3A_50 : vector<3125x128xi32>
    %or3A_52 = arith.ori %shift_left3A_48, %shift_right_logical3A_51 : vector<3125x128xi32>
    %xor3A_53 = arith.xori %add3A_45, %or3A_52 : vector<3125x128xi32>
    %add3A_54 = arith.addi %add3A_45, %xor3A_53 : vector<3125x128xi32>
    %shift_left3A_55 = arith.constant 26 : i32
    %shift_left3A_56 = vector.broadcast %shift_left3A_55 : i32 to vector<3125x128xi32>
    %shift_left3A_57 = arith.shli %xor3A_53, %shift_left3A_56 : vector<3125x128xi32>
    %shift_right_logical3A_58 = arith.constant 6 : i32
    %shift_right_logical3A_59 = vector.broadcast %shift_right_logical3A_58 : i32 to vector<3125x128xi32>
    %shift_right_logical3A_60 = arith.shrui %xor3A_53, %shift_right_logical3A_59 : vector<3125x128xi32>
    %or3A_61 = arith.ori %shift_left3A_57, %shift_right_logical3A_60 : vector<3125x128xi32>
    %xor3A_62 = arith.xori %add3A_54, %or3A_61 : vector<3125x128xi32>
    %add3A_63 = arith.addi %add3A_54, %xor3A_62 : vector<3125x128xi32>
    %shift_left3A_64 = arith.constant 6 : i32
    %shift_left3A_65 = vector.broadcast %shift_left3A_64 : i32 to vector<3125x128xi32>
    %shift_left3A_66 = arith.shli %xor3A_62, %shift_left3A_65 : vector<3125x128xi32>
    %shift_right_logical3A_67 = arith.constant 26 : i32
    %shift_right_logical3A_68 = vector.broadcast %shift_right_logical3A_67 : i32 to vector<3125x128xi32>
    %shift_right_logical3A_69 = arith.shrui %xor3A_62, %shift_right_logical3A_68 : vector<3125x128xi32>
    %or3A_70 = arith.ori %shift_left3A_66, %shift_right_logical3A_69 : vector<3125x128xi32>
    %xor3A_71 = arith.xori %add3A_63, %or3A_70 : vector<3125x128xi32>
    %add3A_72 = arith.constant 1853169794 : i32
    %add3A_73 = vector.broadcast %add3A_72 : i32 to vector<3125x128xi32>
    %add3A_74 = arith.addi %add3A_63, %add3A_73 : vector<3125x128xi32>
    %add3A_75 = arith.constant 1805329261 : i32
    %add3A_76 = vector.broadcast %add3A_75 : i32 to vector<3125x128xi32>
    %add3A_77 = arith.addi %xor3A_71, %add3A_76 : vector<3125x128xi32>
    %add3A_78 = arith.constant 1 : i32
    %add3A_79 = vector.broadcast %add3A_78 : i32 to vector<3125x128xi32>
    %add3A_80 = arith.addi %add3A_77, %add3A_79 : vector<3125x128xi32>
    %add3A_81 = arith.addi %add3A_74, %add3A_80 : vector<3125x128xi32>
    %shift_left3A_82 = arith.constant 17 : i32
    %shift_left3A_83 = vector.broadcast %shift_left3A_82 : i32 to vector<3125x128xi32>
    %shift_left3A_84 = arith.shli %add3A_80, %shift_left3A_83 : vector<3125x128xi32>
    %shift_right_logical3A_85 = arith.constant 15 : i32
    %shift_right_logical3A_86 = vector.broadcast %shift_right_logical3A_85 : i32 to vector<3125x128xi32>
    %shift_right_logical3A_87 = arith.shrui %add3A_80, %shift_right_logical3A_86 : vector<3125x128xi32>
    %or3A_88 = arith.ori %shift_left3A_84, %shift_right_logical3A_87 : vector<3125x128xi32>
    %xor3A_89 = arith.xori %add3A_81, %or3A_88 : vector<3125x128xi32>
    %add3A_90 = arith.addi %add3A_81, %xor3A_89 : vector<3125x128xi32>
    %shift_left3A_91 = arith.constant 29 : i32
    %shift_left3A_92 = vector.broadcast %shift_left3A_91 : i32 to vector<3125x128xi32>
    %shift_left3A_93 = arith.shli %xor3A_89, %shift_left3A_92 : vector<3125x128xi32>
    %shift_right_logical3A_94 = arith.constant 3 : i32
    %shift_right_logical3A_95 = vector.broadcast %shift_right_logical3A_94 : i32 to vector<3125x128xi32>
    %shift_right_logical3A_96 = arith.shrui %xor3A_89, %shift_right_logical3A_95 : vector<3125x128xi32>
    %or3A_97 = arith.ori %shift_left3A_93, %shift_right_logical3A_96 : vector<3125x128xi32>
    %xor3A_98 = arith.xori %add3A_90, %or3A_97 : vector<3125x128xi32>
    %add3A_99 = arith.addi %add3A_90, %xor3A_98 : vector<3125x128xi32>
    %shift_left3A_100 = arith.constant 16 : i32
    %shift_left3A_101 = vector.broadcast %shift_left3A_100 : i32 to vector<3125x128xi32>
    %shift_left3A_102 = arith.shli %xor3A_98, %shift_left3A_101 : vector<3125x128xi32>
    %shift_right_logical3A_103 = arith.constant 16 : i32
    %shift_right_logical3A_104 = vector.broadcast %shift_right_logical3A_103 : i32 to vector<3125x128xi32>
    %shift_right_logical3A_105 = arith.shrui %xor3A_98, %shift_right_logical3A_104 : vector<3125x128xi32>
    %or3A_106 = arith.ori %shift_left3A_102, %shift_right_logical3A_105 : vector<3125x128xi32>
    %xor3A_107 = arith.xori %add3A_99, %or3A_106 : vector<3125x128xi32>
    %add3A_108 = arith.addi %add3A_99, %xor3A_107 : vector<3125x128xi32>
    %shift_left3A_109 = arith.constant 24 : i32
    %shift_left3A_110 = vector.broadcast %shift_left3A_109 : i32 to vector<3125x128xi32>
    %shift_left3A_111 = arith.shli %xor3A_107, %shift_left3A_110 : vector<3125x128xi32>
    %shift_right_logical3A_112 = arith.constant 8 : i32
    %shift_right_logical3A_113 = vector.broadcast %shift_right_logical3A_112 : i32 to vector<3125x128xi32>
    %shift_right_logical3A_114 = arith.shrui %xor3A_107, %shift_right_logical3A_113 : vector<3125x128xi32>
    %or3A_115 = arith.ori %shift_left3A_111, %shift_right_logical3A_114 : vector<3125x128xi32>
    %xor3A_116 = arith.xori %add3A_108, %or3A_115 : vector<3125x128xi32>
    %add3A_117 = arith.constant 1805329261 : i32
    %add3A_118 = vector.broadcast %add3A_117 : i32 to vector<3125x128xi32>
    %add3A_119 = arith.addi %add3A_108, %add3A_118 : vector<3125x128xi32>
    %add3A_120 = arith.constant 507451445 : i32
    %add3A_121 = vector.broadcast %add3A_120 : i32 to vector<3125x128xi32>
    %add3A_122 = arith.addi %xor3A_116, %add3A_121 : vector<3125x128xi32>
    %add3A_123 = arith.constant 2 : i32
    %add3A_124 = vector.broadcast %add3A_123 : i32 to vector<3125x128xi32>
    %add3A_125 = arith.addi %add3A_122, %add3A_124 : vector<3125x128xi32>
    %add3A_126 = arith.addi %add3A_119, %add3A_125 : vector<3125x128xi32>
    %shift_left3A_127 = arith.constant 13 : i32
    %shift_left3A_128 = vector.broadcast %shift_left3A_127 : i32 to vector<3125x128xi32>
    %shift_left3A_129 = arith.shli %add3A_125, %shift_left3A_128 : vector<3125x128xi32>
    %shift_right_logical3A_130 = arith.constant 19 : i32
    %shift_right_logical3A_131 = vector.broadcast %shift_right_logical3A_130 : i32 to vector<3125x128xi32>
    %shift_right_logical3A_132 = arith.shrui %add3A_125, %shift_right_logical3A_131 : vector<3125x128xi32>
    %or3A_133 = arith.ori %shift_left3A_129, %shift_right_logical3A_132 : vector<3125x128xi32>
    %xor3A_134 = arith.xori %add3A_126, %or3A_133 : vector<3125x128xi32>
    %add3A_135 = arith.addi %add3A_126, %xor3A_134 : vector<3125x128xi32>
    %shift_left3A_136 = arith.constant 15 : i32
    %shift_left3A_137 = vector.broadcast %shift_left3A_136 : i32 to vector<3125x128xi32>
    %shift_left3A_138 = arith.shli %xor3A_134, %shift_left3A_137 : vector<3125x128xi32>
    %shift_right_logical3A_139 = arith.constant 17 : i32
    %shift_right_logical3A_140 = vector.broadcast %shift_right_logical3A_139 : i32 to vector<3125x128xi32>
    %shift_right_logical3A_141 = arith.shrui %xor3A_134, %shift_right_logical3A_140 : vector<3125x128xi32>
    %or3A_142 = arith.ori %shift_left3A_138, %shift_right_logical3A_141 : vector<3125x128xi32>
    %xor3A_143 = arith.xori %add3A_135, %or3A_142 : vector<3125x128xi32>
    %add3A_144 = arith.addi %add3A_135, %xor3A_143 : vector<3125x128xi32>
    %shift_left3A_145 = arith.constant 26 : i32
    %shift_left3A_146 = vector.broadcast %shift_left3A_145 : i32 to vector<3125x128xi32>
    %shift_left3A_147 = arith.shli %xor3A_143, %shift_left3A_146 : vector<3125x128xi32>
    %shift_right_logical3A_148 = arith.constant 6 : i32
    %shift_right_logical3A_149 = vector.broadcast %shift_right_logical3A_148 : i32 to vector<3125x128xi32>
    %shift_right_logical3A_150 = arith.shrui %xor3A_143, %shift_right_logical3A_149 : vector<3125x128xi32>
    %or3A_151 = arith.ori %shift_left3A_147, %shift_right_logical3A_150 : vector<3125x128xi32>
    %xor3A_152 = arith.xori %add3A_144, %or3A_151 : vector<3125x128xi32>
    %add3A_153 = arith.addi %add3A_144, %xor3A_152 : vector<3125x128xi32>
    %shift_left3A_154 = arith.constant 6 : i32
    %shift_left3A_155 = vector.broadcast %shift_left3A_154 : i32 to vector<3125x128xi32>
    %shift_left3A_156 = arith.shli %xor3A_152, %shift_left3A_155 : vector<3125x128xi32>
    %shift_right_logical3A_157 = arith.constant 26 : i32
    %shift_right_logical3A_158 = vector.broadcast %shift_right_logical3A_157 : i32 to vector<3125x128xi32>
    %shift_right_logical3A_159 = arith.shrui %xor3A_152, %shift_right_logical3A_158 : vector<3125x128xi32>
    %or3A_160 = arith.ori %shift_left3A_156, %shift_right_logical3A_159 : vector<3125x128xi32>
    %xor3A_161 = arith.xori %add3A_153, %or3A_160 : vector<3125x128xi32>
    %add3A_162 = arith.constant 507451445 : i32
    %add3A_163 = vector.broadcast %add3A_162 : i32 to vector<3125x128xi32>
    %add3A_164 = arith.addi %add3A_153, %add3A_163 : vector<3125x128xi32>
    %add3A_165 = arith.constant 1853169794 : i32
    %add3A_166 = vector.broadcast %add3A_165 : i32 to vector<3125x128xi32>
    %add3A_167 = arith.addi %xor3A_161, %add3A_166 : vector<3125x128xi32>
    %add3A_168 = arith.constant 3 : i32
    %add3A_169 = vector.broadcast %add3A_168 : i32 to vector<3125x128xi32>
    %add3A_170 = arith.addi %add3A_167, %add3A_169 : vector<3125x128xi32>
    %add3A_171 = arith.addi %add3A_164, %add3A_170 : vector<3125x128xi32>
    %shift_left3A_172 = arith.constant 17 : i32
    %shift_left3A_173 = vector.broadcast %shift_left3A_172 : i32 to vector<3125x128xi32>
    %shift_left3A_174 = arith.shli %add3A_170, %shift_left3A_173 : vector<3125x128xi32>
    %shift_right_logical3A_175 = arith.constant 15 : i32
    %shift_right_logical3A_176 = vector.broadcast %shift_right_logical3A_175 : i32 to vector<3125x128xi32>
    %shift_right_logical3A_177 = arith.shrui %add3A_170, %shift_right_logical3A_176 : vector<3125x128xi32>
    %or3A_178 = arith.ori %shift_left3A_174, %shift_right_logical3A_177 : vector<3125x128xi32>
    %xor3A_179 = arith.xori %add3A_171, %or3A_178 : vector<3125x128xi32>
    %add3A_180 = arith.addi %add3A_171, %xor3A_179 : vector<3125x128xi32>
    %shift_left3A_181 = arith.constant 29 : i32
    %shift_left3A_182 = vector.broadcast %shift_left3A_181 : i32 to vector<3125x128xi32>
    %shift_left3A_183 = arith.shli %xor3A_179, %shift_left3A_182 : vector<3125x128xi32>
    %shift_right_logical3A_184 = arith.constant 3 : i32
    %shift_right_logical3A_185 = vector.broadcast %shift_right_logical3A_184 : i32 to vector<3125x128xi32>
    %shift_right_logical3A_186 = arith.shrui %xor3A_179, %shift_right_logical3A_185 : vector<3125x128xi32>
    %or3A_187 = arith.ori %shift_left3A_183, %shift_right_logical3A_186 : vector<3125x128xi32>
    %xor3A_188 = arith.xori %add3A_180, %or3A_187 : vector<3125x128xi32>
    %add3A_189 = arith.addi %add3A_180, %xor3A_188 : vector<3125x128xi32>
    %shift_left3A_190 = arith.constant 16 : i32
    %shift_left3A_191 = vector.broadcast %shift_left3A_190 : i32 to vector<3125x128xi32>
    %shift_left3A_192 = arith.shli %xor3A_188, %shift_left3A_191 : vector<3125x128xi32>
    %shift_right_logical3A_193 = arith.constant 16 : i32
    %shift_right_logical3A_194 = vector.broadcast %shift_right_logical3A_193 : i32 to vector<3125x128xi32>
    %shift_right_logical3A_195 = arith.shrui %xor3A_188, %shift_right_logical3A_194 : vector<3125x128xi32>
    %or3A_196 = arith.ori %shift_left3A_192, %shift_right_logical3A_195 : vector<3125x128xi32>
    %xor3A_197 = arith.xori %add3A_189, %or3A_196 : vector<3125x128xi32>
    %add3A_198 = arith.addi %add3A_189, %xor3A_197 : vector<3125x128xi32>
    %shift_left3A_199 = arith.constant 24 : i32
    %shift_left3A_200 = vector.broadcast %shift_left3A_199 : i32 to vector<3125x128xi32>
    %shift_left3A_201 = arith.shli %xor3A_197, %shift_left3A_200 : vector<3125x128xi32>
    %shift_right_logical3A_202 = arith.constant 8 : i32
    %shift_right_logical3A_203 = vector.broadcast %shift_right_logical3A_202 : i32 to vector<3125x128xi32>
    %shift_right_logical3A_204 = arith.shrui %xor3A_197, %shift_right_logical3A_203 : vector<3125x128xi32>
    %or3A_205 = arith.ori %shift_left3A_201, %shift_right_logical3A_204 : vector<3125x128xi32>
    %xor3A_206 = arith.xori %add3A_198, %or3A_205 : vector<3125x128xi32>
    %add3A_207 = arith.constant 1853169794 : i32
    %add3A_208 = vector.broadcast %add3A_207 : i32 to vector<3125x128xi32>
    %add3A_209 = arith.addi %add3A_198, %add3A_208 : vector<3125x128xi32>
    %add3A_210 = arith.constant 1805329261 : i32
    %add3A_211 = vector.broadcast %add3A_210 : i32 to vector<3125x128xi32>
    %add3A_212 = arith.addi %xor3A_206, %add3A_211 : vector<3125x128xi32>
    %add3A_213 = arith.constant 4 : i32
    %add3A_214 = vector.broadcast %add3A_213 : i32 to vector<3125x128xi32>
    %add3A_215 = arith.addi %add3A_212, %add3A_214 : vector<3125x128xi32>
    %add3A_216 = arith.addi %add3A_209, %add3A_215 : vector<3125x128xi32>
    %shift_left3A_217 = arith.constant 13 : i32
    %shift_left3A_218 = vector.broadcast %shift_left3A_217 : i32 to vector<3125x128xi32>
    %shift_left3A_219 = arith.shli %add3A_215, %shift_left3A_218 : vector<3125x128xi32>
    %shift_right_logical3A_220 = arith.constant 19 : i32
    %shift_right_logical3A_221 = vector.broadcast %shift_right_logical3A_220 : i32 to vector<3125x128xi32>
    %shift_right_logical3A_222 = arith.shrui %add3A_215, %shift_right_logical3A_221 : vector<3125x128xi32>
    %or3A_223 = arith.ori %shift_left3A_219, %shift_right_logical3A_222 : vector<3125x128xi32>
    %xor3A_224 = arith.xori %add3A_216, %or3A_223 : vector<3125x128xi32>
    %add3A_225 = arith.addi %add3A_216, %xor3A_224 : vector<3125x128xi32>
    %shift_left3A_226 = arith.constant 15 : i32
    %shift_left3A_227 = vector.broadcast %shift_left3A_226 : i32 to vector<3125x128xi32>
    %shift_left3A_228 = arith.shli %xor3A_224, %shift_left3A_227 : vector<3125x128xi32>
    %shift_right_logical3A_229 = arith.constant 17 : i32
    %shift_right_logical3A_230 = vector.broadcast %shift_right_logical3A_229 : i32 to vector<3125x128xi32>
    %shift_right_logical3A_231 = arith.shrui %xor3A_224, %shift_right_logical3A_230 : vector<3125x128xi32>
    %or3A_232 = arith.ori %shift_left3A_228, %shift_right_logical3A_231 : vector<3125x128xi32>
    %xor3A_233 = arith.xori %add3A_225, %or3A_232 : vector<3125x128xi32>
    %add3A_234 = arith.addi %add3A_225, %xor3A_233 : vector<3125x128xi32>
    %shift_left3A_235 = arith.constant 26 : i32
    %shift_left3A_236 = vector.broadcast %shift_left3A_235 : i32 to vector<3125x128xi32>
    %shift_left3A_237 = arith.shli %xor3A_233, %shift_left3A_236 : vector<3125x128xi32>
    %shift_right_logical3A_238 = arith.constant 6 : i32
    %shift_right_logical3A_239 = vector.broadcast %shift_right_logical3A_238 : i32 to vector<3125x128xi32>
    %shift_right_logical3A_240 = arith.shrui %xor3A_233, %shift_right_logical3A_239 : vector<3125x128xi32>
    %or3A_241 = arith.ori %shift_left3A_237, %shift_right_logical3A_240 : vector<3125x128xi32>
    %xor3A_242 = arith.xori %add3A_234, %or3A_241 : vector<3125x128xi32>
    %add3A_243 = arith.addi %add3A_234, %xor3A_242 : vector<3125x128xi32>
    %shift_left3A_244 = arith.constant 6 : i32
    %shift_left3A_245 = vector.broadcast %shift_left3A_244 : i32 to vector<3125x128xi32>
    %shift_left3A_246 = arith.shli %xor3A_242, %shift_left3A_245 : vector<3125x128xi32>
    %shift_right_logical3A_247 = arith.constant 26 : i32
    %shift_right_logical3A_248 = vector.broadcast %shift_right_logical3A_247 : i32 to vector<3125x128xi32>
    %shift_right_logical3A_249 = arith.shrui %xor3A_242, %shift_right_logical3A_248 : vector<3125x128xi32>
    %or3A_250 = arith.ori %shift_left3A_246, %shift_right_logical3A_249 : vector<3125x128xi32>
    %xor3A_251 = arith.xori %add3A_243, %or3A_250 : vector<3125x128xi32>
    %add3A_252 = arith.constant 1805329261 : i32
    %add3A_253 = vector.broadcast %add3A_252 : i32 to vector<3125x128xi32>
    %add3A_254 = arith.addi %add3A_243, %add3A_253 : vector<3125x128xi32>
    %add3A_255 = arith.constant 507451445 : i32
    %add3A_256 = vector.broadcast %add3A_255 : i32 to vector<3125x128xi32>
    %add3A_257 = arith.addi %xor3A_251, %add3A_256 : vector<3125x128xi32>
    %add3A_258 = arith.constant 5 : i32
    %add3A_259 = vector.broadcast %add3A_258 : i32 to vector<3125x128xi32>
    %add3A_260 = arith.addi %add3A_257, %add3A_259 : vector<3125x128xi32>
    %add3A_261 = arith.constant 1948878966 : i32
    %add3A_262 = vector.broadcast %add3A_261 : i32 to vector<3125x128xi32>
    %add3A_263 = arith.addi %broadcast_in_dim3A_32, %add3A_262 : vector<3125x128xi32>
    %add3A_264 = arith.constant -57835448 : i32
    %add3A_265 = vector.broadcast %add3A_264 : i32 to vector<3125x128xi32>
    %add3A_266 = arith.addi %add3A_31, %add3A_265 : vector<3125x128xi32>
    %add3A_267 = arith.addi %add3A_263, %add3A_266 : vector<3125x128xi32>
    %shift_left3A_268 = arith.constant 13 : i32
    %shift_left3A_269 = vector.broadcast %shift_left3A_268 : i32 to vector<3125x128xi32>
    %shift_left3A_270 = arith.shli %add3A_266, %shift_left3A_269 : vector<3125x128xi32>
    %shift_right_logical3A_271 = arith.constant 19 : i32
    %shift_right_logical3A_272 = vector.broadcast %shift_right_logical3A_271 : i32 to vector<3125x128xi32>
    %shift_right_logical3A_273 = arith.shrui %add3A_266, %shift_right_logical3A_272 : vector<3125x128xi32>
    %or3A_274 = arith.ori %shift_left3A_270, %shift_right_logical3A_273 : vector<3125x128xi32>
    %xor3A_275 = arith.xori %add3A_267, %or3A_274 : vector<3125x128xi32>
    %add3A_276 = arith.addi %add3A_267, %xor3A_275 : vector<3125x128xi32>
    %shift_left3A_277 = arith.constant 15 : i32
    %shift_left3A_278 = vector.broadcast %shift_left3A_277 : i32 to vector<3125x128xi32>
    %shift_left3A_279 = arith.shli %xor3A_275, %shift_left3A_278 : vector<3125x128xi32>
    %shift_right_logical3A_280 = arith.constant 17 : i32
    %shift_right_logical3A_281 = vector.broadcast %shift_right_logical3A_280 : i32 to vector<3125x128xi32>
    %shift_right_logical3A_282 = arith.shrui %xor3A_275, %shift_right_logical3A_281 : vector<3125x128xi32>
    %or3A_283 = arith.ori %shift_left3A_279, %shift_right_logical3A_282 : vector<3125x128xi32>
    %xor3A_284 = arith.xori %add3A_276, %or3A_283 : vector<3125x128xi32>
    %add3A_285 = arith.addi %add3A_276, %xor3A_284 : vector<3125x128xi32>
    %shift_left3A_286 = arith.constant 26 : i32
    %shift_left3A_287 = vector.broadcast %shift_left3A_286 : i32 to vector<3125x128xi32>
    %shift_left3A_288 = arith.shli %xor3A_284, %shift_left3A_287 : vector<3125x128xi32>
    %shift_right_logical3A_289 = arith.constant 6 : i32
    %shift_right_logical3A_290 = vector.broadcast %shift_right_logical3A_289 : i32 to vector<3125x128xi32>
    %shift_right_logical3A_291 = arith.shrui %xor3A_284, %shift_right_logical3A_290 : vector<3125x128xi32>
    %or3A_292 = arith.ori %shift_left3A_288, %shift_right_logical3A_291 : vector<3125x128xi32>
    %xor3A_293 = arith.xori %add3A_285, %or3A_292 : vector<3125x128xi32>
    %add3A_294 = arith.addi %add3A_285, %xor3A_293 : vector<3125x128xi32>
    %shift_left3A_295 = arith.constant 6 : i32
    %shift_left3A_296 = vector.broadcast %shift_left3A_295 : i32 to vector<3125x128xi32>
    %shift_left3A_297 = arith.shli %xor3A_293, %shift_left3A_296 : vector<3125x128xi32>
    %shift_right_logical3A_298 = arith.constant 26 : i32
    %shift_right_logical3A_299 = vector.broadcast %shift_right_logical3A_298 : i32 to vector<3125x128xi32>
    %shift_right_logical3A_300 = arith.shrui %xor3A_293, %shift_right_logical3A_299 : vector<3125x128xi32>
    %or3A_301 = arith.ori %shift_left3A_297, %shift_right_logical3A_300 : vector<3125x128xi32>
    %xor3A_302 = arith.xori %add3A_294, %or3A_301 : vector<3125x128xi32>
    %add3A_303 = arith.constant -57835448 : i32
    %add3A_304 = vector.broadcast %add3A_303 : i32 to vector<3125x128xi32>
    %add3A_305 = arith.addi %add3A_294, %add3A_304 : vector<3125x128xi32>
    %add3A_306 = arith.constant -1821043740 : i32
    %add3A_307 = vector.broadcast %add3A_306 : i32 to vector<3125x128xi32>
    %add3A_308 = arith.addi %xor3A_302, %add3A_307 : vector<3125x128xi32>
    %add3A_309 = arith.constant 1 : i32
    %add3A_310 = vector.broadcast %add3A_309 : i32 to vector<3125x128xi32>
    %add3A_311 = arith.addi %add3A_308, %add3A_310 : vector<3125x128xi32>
    %add3A_312 = arith.addi %add3A_305, %add3A_311 : vector<3125x128xi32>
    %shift_left3A_313 = arith.constant 17 : i32
    %shift_left3A_314 = vector.broadcast %shift_left3A_313 : i32 to vector<3125x128xi32>
    %shift_left3A_315 = arith.shli %add3A_311, %shift_left3A_314 : vector<3125x128xi32>
    %shift_right_logical3A_316 = arith.constant 15 : i32
    %shift_right_logical3A_317 = vector.broadcast %shift_right_logical3A_316 : i32 to vector<3125x128xi32>
    %shift_right_logical3A_318 = arith.shrui %add3A_311, %shift_right_logical3A_317 : vector<3125x128xi32>
    %or3A_319 = arith.ori %shift_left3A_315, %shift_right_logical3A_318 : vector<3125x128xi32>
    %xor3A_320 = arith.xori %add3A_312, %or3A_319 : vector<3125x128xi32>
    %add3A_321 = arith.addi %add3A_312, %xor3A_320 : vector<3125x128xi32>
    %shift_left3A_322 = arith.constant 29 : i32
    %shift_left3A_323 = vector.broadcast %shift_left3A_322 : i32 to vector<3125x128xi32>
    %shift_left3A_324 = arith.shli %xor3A_320, %shift_left3A_323 : vector<3125x128xi32>
    %shift_right_logical3A_325 = arith.constant 3 : i32
    %shift_right_logical3A_326 = vector.broadcast %shift_right_logical3A_325 : i32 to vector<3125x128xi32>
    %shift_right_logical3A_327 = arith.shrui %xor3A_320, %shift_right_logical3A_326 : vector<3125x128xi32>
    %or3A_328 = arith.ori %shift_left3A_324, %shift_right_logical3A_327 : vector<3125x128xi32>
    %xor3A_329 = arith.xori %add3A_321, %or3A_328 : vector<3125x128xi32>
    %add3A_330 = arith.addi %add3A_321, %xor3A_329 : vector<3125x128xi32>
    %shift_left3A_331 = arith.constant 16 : i32
    %shift_left3A_332 = vector.broadcast %shift_left3A_331 : i32 to vector<3125x128xi32>
    %shift_left3A_333 = arith.shli %xor3A_329, %shift_left3A_332 : vector<3125x128xi32>
    %shift_right_logical3A_334 = arith.constant 16 : i32
    %shift_right_logical3A_335 = vector.broadcast %shift_right_logical3A_334 : i32 to vector<3125x128xi32>
    %shift_right_logical3A_336 = arith.shrui %xor3A_329, %shift_right_logical3A_335 : vector<3125x128xi32>
    %or3A_337 = arith.ori %shift_left3A_333, %shift_right_logical3A_336 : vector<3125x128xi32>
    %xor3A_338 = arith.xori %add3A_330, %or3A_337 : vector<3125x128xi32>
    %add3A_339 = arith.addi %add3A_330, %xor3A_338 : vector<3125x128xi32>
    %shift_left3A_340 = arith.constant 24 : i32
    %shift_left3A_341 = vector.broadcast %shift_left3A_340 : i32 to vector<3125x128xi32>
    %shift_left3A_342 = arith.shli %xor3A_338, %shift_left3A_341 : vector<3125x128xi32>
    %shift_right_logical3A_343 = arith.constant 8 : i32
    %shift_right_logical3A_344 = vector.broadcast %shift_right_logical3A_343 : i32 to vector<3125x128xi32>
    %shift_right_logical3A_345 = arith.shrui %xor3A_338, %shift_right_logical3A_344 : vector<3125x128xi32>
    %or3A_346 = arith.ori %shift_left3A_342, %shift_right_logical3A_345 : vector<3125x128xi32>
    %xor3A_347 = arith.xori %add3A_339, %or3A_346 : vector<3125x128xi32>
    %add3A_348 = arith.constant -1821043740 : i32
    %add3A_349 = vector.broadcast %add3A_348 : i32 to vector<3125x128xi32>
    %add3A_350 = arith.addi %add3A_339, %add3A_349 : vector<3125x128xi32>
    %add3A_351 = arith.constant 1948878966 : i32
    %add3A_352 = vector.broadcast %add3A_351 : i32 to vector<3125x128xi32>
    %add3A_353 = arith.addi %xor3A_347, %add3A_352 : vector<3125x128xi32>
    %add3A_354 = arith.constant 2 : i32
    %add3A_355 = vector.broadcast %add3A_354 : i32 to vector<3125x128xi32>
    %add3A_356 = arith.addi %add3A_353, %add3A_355 : vector<3125x128xi32>
    %add3A_357 = arith.addi %add3A_350, %add3A_356 : vector<3125x128xi32>
    %shift_left3A_358 = arith.constant 13 : i32
    %shift_left3A_359 = vector.broadcast %shift_left3A_358 : i32 to vector<3125x128xi32>
    %shift_left3A_360 = arith.shli %add3A_356, %shift_left3A_359 : vector<3125x128xi32>
    %shift_right_logical3A_361 = arith.constant 19 : i32
    %shift_right_logical3A_362 = vector.broadcast %shift_right_logical3A_361 : i32 to vector<3125x128xi32>
    %shift_right_logical3A_363 = arith.shrui %add3A_356, %shift_right_logical3A_362 : vector<3125x128xi32>
    %or3A_364 = arith.ori %shift_left3A_360, %shift_right_logical3A_363 : vector<3125x128xi32>
    %xor3A_365 = arith.xori %add3A_357, %or3A_364 : vector<3125x128xi32>
    %add3A_366 = arith.addi %add3A_357, %xor3A_365 : vector<3125x128xi32>
    %shift_left3A_367 = arith.constant 15 : i32
    %shift_left3A_368 = vector.broadcast %shift_left3A_367 : i32 to vector<3125x128xi32>
    %shift_left3A_369 = arith.shli %xor3A_365, %shift_left3A_368 : vector<3125x128xi32>
    %shift_right_logical3A_370 = arith.constant 17 : i32
    %shift_right_logical3A_371 = vector.broadcast %shift_right_logical3A_370 : i32 to vector<3125x128xi32>
    %shift_right_logical3A_372 = arith.shrui %xor3A_365, %shift_right_logical3A_371 : vector<3125x128xi32>
    %or3A_373 = arith.ori %shift_left3A_369, %shift_right_logical3A_372 : vector<3125x128xi32>
    %xor3A_374 = arith.xori %add3A_366, %or3A_373 : vector<3125x128xi32>
    %add3A_375 = arith.addi %add3A_366, %xor3A_374 : vector<3125x128xi32>
    %shift_left3A_376 = arith.constant 26 : i32
    %shift_left3A_377 = vector.broadcast %shift_left3A_376 : i32 to vector<3125x128xi32>
    %shift_left3A_378 = arith.shli %xor3A_374, %shift_left3A_377 : vector<3125x128xi32>
    %shift_right_logical3A_379 = arith.constant 6 : i32
    %shift_right_logical3A_380 = vector.broadcast %shift_right_logical3A_379 : i32 to vector<3125x128xi32>
    %shift_right_logical3A_381 = arith.shrui %xor3A_374, %shift_right_logical3A_380 : vector<3125x128xi32>
    %or3A_382 = arith.ori %shift_left3A_378, %shift_right_logical3A_381 : vector<3125x128xi32>
    %xor3A_383 = arith.xori %add3A_375, %or3A_382 : vector<3125x128xi32>
    %add3A_384 = arith.addi %add3A_375, %xor3A_383 : vector<3125x128xi32>
    %shift_left3A_385 = arith.constant 6 : i32
    %shift_left3A_386 = vector.broadcast %shift_left3A_385 : i32 to vector<3125x128xi32>
    %shift_left3A_387 = arith.shli %xor3A_383, %shift_left3A_386 : vector<3125x128xi32>
    %shift_right_logical3A_388 = arith.constant 26 : i32
    %shift_right_logical3A_389 = vector.broadcast %shift_right_logical3A_388 : i32 to vector<3125x128xi32>
    %shift_right_logical3A_390 = arith.shrui %xor3A_383, %shift_right_logical3A_389 : vector<3125x128xi32>
    %or3A_391 = arith.ori %shift_left3A_387, %shift_right_logical3A_390 : vector<3125x128xi32>
    %xor3A_392 = arith.xori %add3A_384, %or3A_391 : vector<3125x128xi32>
    %add3A_393 = arith.constant 1948878966 : i32
    %add3A_394 = vector.broadcast %add3A_393 : i32 to vector<3125x128xi32>
    %add3A_395 = arith.addi %add3A_384, %add3A_394 : vector<3125x128xi32>
    %add3A_396 = arith.constant -57835448 : i32
    %add3A_397 = vector.broadcast %add3A_396 : i32 to vector<3125x128xi32>
    %add3A_398 = arith.addi %xor3A_392, %add3A_397 : vector<3125x128xi32>
    %add3A_399 = arith.constant 3 : i32
    %add3A_400 = vector.broadcast %add3A_399 : i32 to vector<3125x128xi32>
    %add3A_401 = arith.addi %add3A_398, %add3A_400 : vector<3125x128xi32>
    %add3A_402 = arith.addi %add3A_395, %add3A_401 : vector<3125x128xi32>
    %shift_left3A_403 = arith.constant 17 : i32
    %shift_left3A_404 = vector.broadcast %shift_left3A_403 : i32 to vector<3125x128xi32>
    %shift_left3A_405 = arith.shli %add3A_401, %shift_left3A_404 : vector<3125x128xi32>
    %shift_right_logical3A_406 = arith.constant 15 : i32
    %shift_right_logical3A_407 = vector.broadcast %shift_right_logical3A_406 : i32 to vector<3125x128xi32>
    %shift_right_logical3A_408 = arith.shrui %add3A_401, %shift_right_logical3A_407 : vector<3125x128xi32>
    %or3A_409 = arith.ori %shift_left3A_405, %shift_right_logical3A_408 : vector<3125x128xi32>
    %xor3A_410 = arith.xori %add3A_402, %or3A_409 : vector<3125x128xi32>
    %add3A_411 = arith.addi %add3A_402, %xor3A_410 : vector<3125x128xi32>
    %shift_left3A_412 = arith.constant 29 : i32
    %shift_left3A_413 = vector.broadcast %shift_left3A_412 : i32 to vector<3125x128xi32>
    %shift_left3A_414 = arith.shli %xor3A_410, %shift_left3A_413 : vector<3125x128xi32>
    %shift_right_logical3A_415 = arith.constant 3 : i32
    %shift_right_logical3A_416 = vector.broadcast %shift_right_logical3A_415 : i32 to vector<3125x128xi32>
    %shift_right_logical3A_417 = arith.shrui %xor3A_410, %shift_right_logical3A_416 : vector<3125x128xi32>
    %or3A_418 = arith.ori %shift_left3A_414, %shift_right_logical3A_417 : vector<3125x128xi32>
    %xor3A_419 = arith.xori %add3A_411, %or3A_418 : vector<3125x128xi32>
    %add3A_420 = arith.addi %add3A_411, %xor3A_419 : vector<3125x128xi32>
    %shift_left3A_421 = arith.constant 16 : i32
    %shift_left3A_422 = vector.broadcast %shift_left3A_421 : i32 to vector<3125x128xi32>
    %shift_left3A_423 = arith.shli %xor3A_419, %shift_left3A_422 : vector<3125x128xi32>
    %shift_right_logical3A_424 = arith.constant 16 : i32
    %shift_right_logical3A_425 = vector.broadcast %shift_right_logical3A_424 : i32 to vector<3125x128xi32>
    %shift_right_logical3A_426 = arith.shrui %xor3A_419, %shift_right_logical3A_425 : vector<3125x128xi32>
    %or3A_427 = arith.ori %shift_left3A_423, %shift_right_logical3A_426 : vector<3125x128xi32>
    %xor3A_428 = arith.xori %add3A_420, %or3A_427 : vector<3125x128xi32>
    %add3A_429 = arith.addi %add3A_420, %xor3A_428 : vector<3125x128xi32>
    %shift_left3A_430 = arith.constant 24 : i32
    %shift_left3A_431 = vector.broadcast %shift_left3A_430 : i32 to vector<3125x128xi32>
    %shift_left3A_432 = arith.shli %xor3A_428, %shift_left3A_431 : vector<3125x128xi32>
    %shift_right_logical3A_433 = arith.constant 8 : i32
    %shift_right_logical3A_434 = vector.broadcast %shift_right_logical3A_433 : i32 to vector<3125x128xi32>
    %shift_right_logical3A_435 = arith.shrui %xor3A_428, %shift_right_logical3A_434 : vector<3125x128xi32>
    %or3A_436 = arith.ori %shift_left3A_432, %shift_right_logical3A_435 : vector<3125x128xi32>
    %xor3A_437 = arith.xori %add3A_429, %or3A_436 : vector<3125x128xi32>
    %add3A_438 = arith.constant -57835448 : i32
    %add3A_439 = vector.broadcast %add3A_438 : i32 to vector<3125x128xi32>
    %add3A_440 = arith.addi %add3A_429, %add3A_439 : vector<3125x128xi32>
    %add3A_441 = arith.constant -1821043740 : i32
    %add3A_442 = vector.broadcast %add3A_441 : i32 to vector<3125x128xi32>
    %add3A_443 = arith.addi %xor3A_437, %add3A_442 : vector<3125x128xi32>
    %add3A_444 = arith.constant 4 : i32
    %add3A_445 = vector.broadcast %add3A_444 : i32 to vector<3125x128xi32>
    %add3A_446 = arith.addi %add3A_443, %add3A_445 : vector<3125x128xi32>
    %add3A_447 = arith.addi %add3A_440, %add3A_446 : vector<3125x128xi32>
    %shift_left3A_448 = arith.constant 13 : i32
    %shift_left3A_449 = vector.broadcast %shift_left3A_448 : i32 to vector<3125x128xi32>
    %shift_left3A_450 = arith.shli %add3A_446, %shift_left3A_449 : vector<3125x128xi32>
    %shift_right_logical3A_451 = arith.constant 19 : i32
    %shift_right_logical3A_452 = vector.broadcast %shift_right_logical3A_451 : i32 to vector<3125x128xi32>
    %shift_right_logical3A_453 = arith.shrui %add3A_446, %shift_right_logical3A_452 : vector<3125x128xi32>
    %or3A_454 = arith.ori %shift_left3A_450, %shift_right_logical3A_453 : vector<3125x128xi32>
    %xor3A_455 = arith.xori %add3A_447, %or3A_454 : vector<3125x128xi32>
    %add3A_456 = arith.addi %add3A_447, %xor3A_455 : vector<3125x128xi32>
    %shift_left3A_457 = arith.constant 15 : i32
    %shift_left3A_458 = vector.broadcast %shift_left3A_457 : i32 to vector<3125x128xi32>
    %shift_left3A_459 = arith.shli %xor3A_455, %shift_left3A_458 : vector<3125x128xi32>
    %shift_right_logical3A_460 = arith.constant 17 : i32
    %shift_right_logical3A_461 = vector.broadcast %shift_right_logical3A_460 : i32 to vector<3125x128xi32>
    %shift_right_logical3A_462 = arith.shrui %xor3A_455, %shift_right_logical3A_461 : vector<3125x128xi32>
    %or3A_463 = arith.ori %shift_left3A_459, %shift_right_logical3A_462 : vector<3125x128xi32>
    %xor3A_464 = arith.xori %add3A_456, %or3A_463 : vector<3125x128xi32>
    %add3A_465 = arith.addi %add3A_456, %xor3A_464 : vector<3125x128xi32>
    %shift_left3A_466 = arith.constant 26 : i32
    %shift_left3A_467 = vector.broadcast %shift_left3A_466 : i32 to vector<3125x128xi32>
    %shift_left3A_468 = arith.shli %xor3A_464, %shift_left3A_467 : vector<3125x128xi32>
    %shift_right_logical3A_469 = arith.constant 6 : i32
    %shift_right_logical3A_470 = vector.broadcast %shift_right_logical3A_469 : i32 to vector<3125x128xi32>
    %shift_right_logical3A_471 = arith.shrui %xor3A_464, %shift_right_logical3A_470 : vector<3125x128xi32>
    %or3A_472 = arith.ori %shift_left3A_468, %shift_right_logical3A_471 : vector<3125x128xi32>
    %xor3A_473 = arith.xori %add3A_465, %or3A_472 : vector<3125x128xi32>
    %add3A_474 = arith.addi %add3A_465, %xor3A_473 : vector<3125x128xi32>
    %shift_left3A_475 = arith.constant 6 : i32
    %shift_left3A_476 = vector.broadcast %shift_left3A_475 : i32 to vector<3125x128xi32>
    %shift_left3A_477 = arith.shli %xor3A_473, %shift_left3A_476 : vector<3125x128xi32>
    %shift_right_logical3A_478 = arith.constant 26 : i32
    %shift_right_logical3A_479 = vector.broadcast %shift_right_logical3A_478 : i32 to vector<3125x128xi32>
    %shift_right_logical3A_480 = arith.shrui %xor3A_473, %shift_right_logical3A_479 : vector<3125x128xi32>
    %or3A_481 = arith.ori %shift_left3A_477, %shift_right_logical3A_480 : vector<3125x128xi32>
    %xor3A_482 = arith.xori %add3A_474, %or3A_481 : vector<3125x128xi32>
    %add3A_483 = arith.constant -1821043740 : i32
    %add3A_484 = vector.broadcast %add3A_483 : i32 to vector<3125x128xi32>
    %add3A_485 = arith.addi %add3A_474, %add3A_484 : vector<3125x128xi32>
    %add3A_486 = arith.constant 1948878966 : i32
    %add3A_487 = vector.broadcast %add3A_486 : i32 to vector<3125x128xi32>
    %add3A_488 = arith.addi %xor3A_482, %add3A_487 : vector<3125x128xi32>
    %add3A_489 = arith.constant 5 : i32
    %add3A_490 = vector.broadcast %add3A_489 : i32 to vector<3125x128xi32>
    %add3A_491 = arith.addi %add3A_488, %add3A_490 : vector<3125x128xi32>
    %xor3A_492 = arith.xori %add3A_254, %add3A_260 : vector<3125x128xi32>
    %xor3A_493 = arith.xori %add3A_485, %add3A_491 : vector<3125x128xi32>
    %shift_right_logical3A_494 = arith.constant 16 : i32
    %shift_right_logical3A_495 = vector.broadcast %shift_right_logical3A_494 : i32 to vector<3125x128xi32>
    %shift_right_logical3A_496 = arith.shrui %xor3A_492, %shift_right_logical3A_495 : vector<3125x128xi32>
    %mul3A_497 = arith.constant 10656 : i32
    %mul3A_498 = vector.broadcast %mul3A_497 : i32 to vector<3125x128xi32>
    %mul3A_499 = arith.muli %shift_right_logical3A_496, %mul3A_498 : vector<3125x128xi32>
    %and3A_500 = arith.constant 65535 : i32
    %and3A_501 = vector.broadcast %and3A_500 : i32 to vector<3125x128xi32>
    %and3A_502 = arith.andi %xor3A_492, %and3A_501 : vector<3125x128xi32>
    %mul3A_503 = arith.constant 17296 : i32
    %mul3A_504 = vector.broadcast %mul3A_503 : i32 to vector<3125x128xi32>
    %mul3A_505 = arith.muli %and3A_502, %mul3A_504 : vector<3125x128xi32>
    %add3A_506 = arith.addi %mul3A_499, %mul3A_505 : vector<3125x128xi32>
    %shift_right_logical3A_507 = arith.constant 16 : i32
    %shift_right_logical3A_508 = vector.broadcast %shift_right_logical3A_507 : i32 to vector<3125x128xi32>
    %shift_right_logical3A_509 = arith.shrui %xor3A_493, %shift_right_logical3A_508 : vector<3125x128xi32>
    %mul3A_510 = arith.constant 15536 : i32
    %mul3A_511 = vector.broadcast %mul3A_510 : i32 to vector<3125x128xi32>
    %mul3A_512 = arith.muli %shift_right_logical3A_509, %mul3A_511 : vector<3125x128xi32>
    %add3A_513 = arith.addi %add3A_506, %mul3A_512 : vector<3125x128xi32>
    %and3A_514 = arith.constant 65535 : i32
    %and3A_515 = vector.broadcast %and3A_514 : i32 to vector<3125x128xi32>
    %and3A_516 = arith.andi %xor3A_493, %and3A_515 : vector<3125x128xi32>
    %add3A_517 = arith.addi %add3A_513, %and3A_516 : vector<3125x128xi32>
    %shift_right_logical3A_518 = arith.constant 24 : i32
    %shift_right_logical3A_519 = vector.broadcast %shift_right_logical3A_518 : i32 to vector<3125x128xi32>
    %shift_right_logical3A_520 = arith.shrui %add3A_517, %shift_right_logical3A_519 : vector<3125x128xi32>
    %mul3A_521 = arith.constant 27216 : i32
    %mul3A_522 = vector.broadcast %mul3A_521 : i32 to vector<3125x128xi32>
    %mul3A_523 = arith.muli %shift_right_logical3A_520, %mul3A_522 : vector<3125x128xi32>
    %and3A_524 = arith.constant 16777215 : i32
    %and3A_525 = vector.broadcast %and3A_524 : i32 to vector<3125x128xi32>
    %and3A_526 = arith.andi %add3A_517, %and3A_525 : vector<3125x128xi32>
    %add3A_527 = arith.addi %mul3A_523, %and3A_526 : vector<3125x128xi32>
    %shift_right_logical3A_528 = arith.constant 16 : i32
    %shift_right_logical3A_529 = vector.broadcast %shift_right_logical3A_528 : i32 to vector<3125x128xi32>
    %shift_right_logical3A_530 = arith.shrui %add3A_527, %shift_right_logical3A_529 : vector<3125x128xi32>
    %mul3A_531 = arith.constant 15536 : i32
    %mul3A_532 = vector.broadcast %mul3A_531 : i32 to vector<3125x128xi32>
    %mul3A_533 = arith.muli %shift_right_logical3A_530, %mul3A_532 : vector<3125x128xi32>
    %and3A_534 = arith.constant 65535 : i32
    %and3A_535 = vector.broadcast %and3A_534 : i32 to vector<3125x128xi32>
    %and3A_536 = arith.andi %add3A_527, %and3A_535 : vector<3125x128xi32>
    %add3A_537 = arith.addi %mul3A_533, %and3A_536 : vector<3125x128xi32>
    %shift_right_logical3A_538 = arith.constant 16 : i32
    %shift_right_logical3A_539 = vector.broadcast %shift_right_logical3A_538 : i32 to vector<3125x128xi32>
    %shift_right_logical3A_540 = arith.shrui %add3A_537, %shift_right_logical3A_539 : vector<3125x128xi32>
    %mul3A_541 = arith.constant 15536 : i32
    %mul3A_542 = vector.broadcast %mul3A_541 : i32 to vector<3125x128xi32>
    %mul3A_543 = arith.muli %shift_right_logical3A_540, %mul3A_542 : vector<3125x128xi32>
    %and3A_544 = arith.constant 65535 : i32
    %and3A_545 = vector.broadcast %and3A_544 : i32 to vector<3125x128xi32>
    %and3A_546 = arith.andi %add3A_537, %and3A_545 : vector<3125x128xi32>
    %add3A_547 = arith.addi %mul3A_543, %and3A_546 : vector<3125x128xi32>
    %shift_right_logical3A_548 = arith.constant 16 : i32
    %shift_right_logical3A_549 = vector.broadcast %shift_right_logical3A_548 : i32 to vector<3125x128xi32>
    %shift_right_logical3A_550 = arith.shrui %add3A_547, %shift_right_logical3A_549 : vector<3125x128xi32>
    %mul3A_551 = arith.constant 15536 : i32
    %mul3A_552 = vector.broadcast %mul3A_551 : i32 to vector<3125x128xi32>
    %mul3A_553 = arith.muli %shift_right_logical3A_550, %mul3A_552 : vector<3125x128xi32>
    %and3A_554 = arith.constant 65535 : i32
    %and3A_555 = vector.broadcast %and3A_554 : i32 to vector<3125x128xi32>
    %and3A_556 = arith.andi %add3A_547, %and3A_555 : vector<3125x128xi32>
    %add3A_557 = arith.addi %mul3A_553, %and3A_556 : vector<3125x128xi32>
    %shift_right_logical3A_558 = arith.constant 16 : i32
    %shift_right_logical3A_559 = vector.broadcast %shift_right_logical3A_558 : i32 to vector<3125x128xi32>
    %shift_right_logical3A_560 = arith.shrui %add3A_557, %shift_right_logical3A_559 : vector<3125x128xi32>
    %mul3A_561 = arith.constant 15536 : i32
    %mul3A_562 = vector.broadcast %mul3A_561 : i32 to vector<3125x128xi32>
    %mul3A_563 = arith.muli %shift_right_logical3A_560, %mul3A_562 : vector<3125x128xi32>
    %and3A_564 = arith.constant 65535 : i32
    %and3A_565 = vector.broadcast %and3A_564 : i32 to vector<3125x128xi32>
    %and3A_566 = arith.andi %add3A_557, %and3A_565 : vector<3125x128xi32>
    %add3A_567 = arith.addi %mul3A_563, %and3A_566 : vector<3125x128xi32>
    %shift_right_logical3A_568 = arith.constant 16 : i32
    %shift_right_logical3A_569 = vector.broadcast %shift_right_logical3A_568 : i32 to vector<3125x128xi32>
    %shift_right_logical3A_570 = arith.shrui %add3A_567, %shift_right_logical3A_569 : vector<3125x128xi32>
    %mul3A_571 = arith.constant 15536 : i32
    %mul3A_572 = vector.broadcast %mul3A_571 : i32 to vector<3125x128xi32>
    %mul3A_573 = arith.muli %shift_right_logical3A_570, %mul3A_572 : vector<3125x128xi32>
    %and3A_574 = arith.constant 65535 : i32
    %and3A_575 = vector.broadcast %and3A_574 : i32 to vector<3125x128xi32>
    %and3A_576 = arith.andi %add3A_567, %and3A_575 : vector<3125x128xi32>
    %add3A_577 = arith.addi %mul3A_573, %and3A_576 : vector<3125x128xi32>
    %ge3A_578 = arith.constant 100000 : i32
    %ge3A_579 = vector.broadcast %ge3A_578 : i32 to vector<3125x128xi32>
    %ge3A_580 = arith.cmpi uge, %add3A_577, %ge3A_579 : vector<3125x128xi32>
    %sub3A_581 = arith.constant 100000 : i32
    %sub3A_582 = vector.broadcast %sub3A_581 : i32 to vector<3125x128xi32>
    %sub3A_583 = arith.subi %add3A_577, %sub3A_582 : vector<3125x128xi32>
    %select_n3A = arith.select %ge3A_580, %sub3A_583, %add3A_577 : vector<3125x128xi1>, vector<3125x128xi32>
    %ge3A_584 = arith.constant 50000 : i32
    %ge3A_585 = vector.broadcast %ge3A_584 : i32 to vector<3125x128xi32>
    %ge3A_586 = arith.cmpi uge, %select_n3A, %ge3A_585 : vector<3125x128xi32>
    %sub3A_587 = arith.constant 50000 : i32
    %sub3A_588 = vector.broadcast %sub3A_587 : i32 to vector<3125x128xi32>
    %sub3A_589 = arith.subi %select_n3A, %sub3A_588 : vector<3125x128xi32>
    %select_n3A_590 = arith.select %ge3A_586, %sub3A_589, %select_n3A : vector<3125x128xi1>, vector<3125x128xi32>
    %mul3A_591 = arith.constant 50000 : i32
    %mul3A_592 = vector.broadcast %mul3A_591 : i32 to vector<3125x128xi32>
    %mul3A_593 = arith.muli %convert_element_type3A_11, %mul3A_592 : vector<3125x128xi32>
    %add3A_594 = arith.addi %select_n3A_590, %mul3A_593 : vector<3125x128xi32>
    %swap3A = arith.constant 0 : index
    %swap3A_595 = arith.constant 0 : index
    %swap3A_596 = vector.load %arg1[%swap3A, %swap3A_595] : memref<3125x128xi32, #tpu.memory_space<vmem>>, vector<3125x128xi32>
    tpu.vector_store %arg1[%swap3A, %swap3A_595], %add3A_594 {strides = array<i32>} : memref<3125x128xi32, #tpu.memory_space<vmem>>, vector<3125x128xi32>,
    %add3A_597 = arith.constant 1821159224 : i32
    %add3A_598 = vector.broadcast %add3A_597 : i32 to vector<3125x128xi32>
    %add3A_599 = arith.addi %broadcast_in_dim3A_32, %add3A_598 : vector<3125x128xi32>
    %add3A_600 = arith.constant -930722479 : i32
    %add3A_601 = vector.broadcast %add3A_600 : i32 to vector<3125x128xi32>
    %add3A_602 = arith.addi %add3A_31, %add3A_601 : vector<3125x128xi32>
    %add3A_603 = arith.addi %add3A_599, %add3A_602 : vector<3125x128xi32>
    %shift_left3A_604 = arith.constant 13 : i32
    %shift_left3A_605 = vector.broadcast %shift_left3A_604 : i32 to vector<3125x128xi32>
    %shift_left3A_606 = arith.shli %add3A_602, %shift_left3A_605 : vector<3125x128xi32>
    %shift_right_logical3A_607 = arith.constant 19 : i32
    %shift_right_logical3A_608 = vector.broadcast %shift_right_logical3A_607 : i32 to vector<3125x128xi32>
    %shift_right_logical3A_609 = arith.shrui %add3A_602, %shift_right_logical3A_608 : vector<3125x128xi32>
    %or3A_610 = arith.ori %shift_left3A_606, %shift_right_logical3A_609 : vector<3125x128xi32>
    %xor3A_611 = arith.xori %add3A_603, %or3A_610 : vector<3125x128xi32>
    %add3A_612 = arith.addi %add3A_603, %xor3A_611 : vector<3125x128xi32>
    %shift_left3A_613 = arith.constant 15 : i32
    %shift_left3A_614 = vector.broadcast %shift_left3A_613 : i32 to vector<3125x128xi32>
    %shift_left3A_615 = arith.shli %xor3A_611, %shift_left3A_614 : vector<3125x128xi32>
    %shift_right_logical3A_616 = arith.constant 17 : i32
    %shift_right_logical3A_617 = vector.broadcast %shift_right_logical3A_616 : i32 to vector<3125x128xi32>
    %shift_right_logical3A_618 = arith.shrui %xor3A_611, %shift_right_logical3A_617 : vector<3125x128xi32>
    %or3A_619 = arith.ori %shift_left3A_615, %shift_right_logical3A_618 : vector<3125x128xi32>
    %xor3A_620 = arith.xori %add3A_612, %or3A_619 : vector<3125x128xi32>
    %add3A_621 = arith.addi %add3A_612, %xor3A_620 : vector<3125x128xi32>
    %shift_left3A_622 = arith.constant 26 : i32
    %shift_left3A_623 = vector.broadcast %shift_left3A_622 : i32 to vector<3125x128xi32>
    %shift_left3A_624 = arith.shli %xor3A_620, %shift_left3A_623 : vector<3125x128xi32>
    %shift_right_logical3A_625 = arith.constant 6 : i32
    %shift_right_logical3A_626 = vector.broadcast %shift_right_logical3A_625 : i32 to vector<3125x128xi32>
    %shift_right_logical3A_627 = arith.shrui %xor3A_620, %shift_right_logical3A_626 : vector<3125x128xi32>
    %or3A_628 = arith.ori %shift_left3A_624, %shift_right_logical3A_627 : vector<3125x128xi32>
    %xor3A_629 = arith.xori %add3A_621, %or3A_628 : vector<3125x128xi32>
    %add3A_630 = arith.addi %add3A_621, %xor3A_629 : vector<3125x128xi32>
    %shift_left3A_631 = arith.constant 6 : i32
    %shift_left3A_632 = vector.broadcast %shift_left3A_631 : i32 to vector<3125x128xi32>
    %shift_left3A_633 = arith.shli %xor3A_629, %shift_left3A_632 : vector<3125x128xi32>
    %shift_right_logical3A_634 = arith.constant 26 : i32
    %shift_right_logical3A_635 = vector.broadcast %shift_right_logical3A_634 : i32 to vector<3125x128xi32>
    %shift_right_logical3A_636 = arith.shrui %xor3A_629, %shift_right_logical3A_635 : vector<3125x128xi32>
    %or3A_637 = arith.ori %shift_left3A_633, %shift_right_logical3A_636 : vector<3125x128xi32>
    %xor3A_638 = arith.xori %add3A_630, %or3A_637 : vector<3125x128xi32>
    %add3A_639 = arith.constant -930722479 : i32
    %add3A_640 = vector.broadcast %add3A_639 : i32 to vector<3125x128xi32>
    %add3A_641 = arith.addi %add3A_630, %add3A_640 : vector<3125x128xi32>
    %add3A_642 = arith.constant -1076102733 : i32
    %add3A_643 = vector.broadcast %add3A_642 : i32 to vector<3125x128xi32>
    %add3A_644 = arith.addi %xor3A_638, %add3A_643 : vector<3125x128xi32>
    %add3A_645 = arith.constant 1 : i32
    %add3A_646 = vector.broadcast %add3A_645 : i32 to vector<3125x128xi32>
    %add3A_647 = arith.addi %add3A_644, %add3A_646 : vector<3125x128xi32>
    %add3A_648 = arith.addi %add3A_641, %add3A_647 : vector<3125x128xi32>
    %shift_left3A_649 = arith.constant 17 : i32
    %shift_left3A_650 = vector.broadcast %shift_left3A_649 : i32 to vector<3125x128xi32>
    %shift_left3A_651 = arith.shli %add3A_647, %shift_left3A_650 : vector<3125x128xi32>
    %shift_right_logical3A_652 = arith.constant 15 : i32
    %shift_right_logical3A_653 = vector.broadcast %shift_right_logical3A_652 : i32 to vector<3125x128xi32>
    %shift_right_logical3A_654 = arith.shrui %add3A_647, %shift_right_logical3A_653 : vector<3125x128xi32>
    %or3A_655 = arith.ori %shift_left3A_651, %shift_right_logical3A_654 : vector<3125x128xi32>
    %xor3A_656 = arith.xori %add3A_648, %or3A_655 : vector<3125x128xi32>
    %add3A_657 = arith.addi %add3A_648, %xor3A_656 : vector<3125x128xi32>
    %shift_left3A_658 = arith.constant 29 : i32
    %shift_left3A_659 = vector.broadcast %shift_left3A_658 : i32 to vector<3125x128xi32>
    %shift_left3A_660 = arith.shli %xor3A_656, %shift_left3A_659 : vector<3125x128xi32>
    %shift_right_logical3A_661 = arith.constant 3 : i32
    %shift_right_logical3A_662 = vector.broadcast %shift_right_logical3A_661 : i32 to vector<3125x128xi32>
    %shift_right_logical3A_663 = arith.shrui %xor3A_656, %shift_right_logical3A_662 : vector<3125x128xi32>
    %or3A_664 = arith.ori %shift_left3A_660, %shift_right_logical3A_663 : vector<3125x128xi32>
    %xor3A_665 = arith.xori %add3A_657, %or3A_664 : vector<3125x128xi32>
    %add3A_666 = arith.addi %add3A_657, %xor3A_665 : vector<3125x128xi32>
    %shift_left3A_667 = arith.constant 16 : i32
    %shift_left3A_668 = vector.broadcast %shift_left3A_667 : i32 to vector<3125x128xi32>
    %shift_left3A_669 = arith.shli %xor3A_665, %shift_left3A_668 : vector<3125x128xi32>
    %shift_right_logical3A_670 = arith.constant 16 : i32
    %shift_right_logical3A_671 = vector.broadcast %shift_right_logical3A_670 : i32 to vector<3125x128xi32>
    %shift_right_logical3A_672 = arith.shrui %xor3A_665, %shift_right_logical3A_671 : vector<3125x128xi32>
    %or3A_673 = arith.ori %shift_left3A_669, %shift_right_logical3A_672 : vector<3125x128xi32>
    %xor3A_674 = arith.xori %add3A_666, %or3A_673 : vector<3125x128xi32>
    %add3A_675 = arith.addi %add3A_666, %xor3A_674 : vector<3125x128xi32>
    %shift_left3A_676 = arith.constant 24 : i32
    %shift_left3A_677 = vector.broadcast %shift_left3A_676 : i32 to vector<3125x128xi32>
    %shift_left3A_678 = arith.shli %xor3A_674, %shift_left3A_677 : vector<3125x128xi32>
    %shift_right_logical3A_679 = arith.constant 8 : i32
    %shift_right_logical3A_680 = vector.broadcast %shift_right_logical3A_679 : i32 to vector<3125x128xi32>
    %shift_right_logical3A_681 = arith.shrui %xor3A_674, %shift_right_logical3A_680 : vector<3125x128xi32>
    %or3A_682 = arith.ori %shift_left3A_678, %shift_right_logical3A_681 : vector<3125x128xi32>
    %xor3A_683 = arith.xori %add3A_675, %or3A_682 : vector<3125x128xi32>
    %add3A_684 = arith.constant -1076102733 : i32
    %add3A_685 = vector.broadcast %add3A_684 : i32 to vector<3125x128xi32>
    %add3A_686 = arith.addi %add3A_675, %add3A_685 : vector<3125x128xi32>
    %add3A_687 = arith.constant 1821159224 : i32
    %add3A_688 = vector.broadcast %add3A_687 : i32 to vector<3125x128xi32>
    %add3A_689 = arith.addi %xor3A_683, %add3A_688 : vector<3125x128xi32>
    %add3A_690 = arith.constant 2 : i32
    %add3A_691 = vector.broadcast %add3A_690 : i32 to vector<3125x128xi32>
    %add3A_692 = arith.addi %add3A_689, %add3A_691 : vector<3125x128xi32>
    %add3A_693 = arith.addi %add3A_686, %add3A_692 : vector<3125x128xi32>
    %shift_left3A_694 = arith.constant 13 : i32
    %shift_left3A_695 = vector.broadcast %shift_left3A_694 : i32 to vector<3125x128xi32>
    %shift_left3A_696 = arith.shli %add3A_692, %shift_left3A_695 : vector<3125x128xi32>
    %shift_right_logical3A_697 = arith.constant 19 : i32
    %shift_right_logical3A_698 = vector.broadcast %shift_right_logical3A_697 : i32 to vector<3125x128xi32>
    %shift_right_logical3A_699 = arith.shrui %add3A_692, %shift_right_logical3A_698 : vector<3125x128xi32>
    %or3A_700 = arith.ori %shift_left3A_696, %shift_right_logical3A_699 : vector<3125x128xi32>
    %xor3A_701 = arith.xori %add3A_693, %or3A_700 : vector<3125x128xi32>
    %add3A_702 = arith.addi %add3A_693, %xor3A_701 : vector<3125x128xi32>
    %shift_left3A_703 = arith.constant 15 : i32
    %shift_left3A_704 = vector.broadcast %shift_left3A_703 : i32 to vector<3125x128xi32>
    %shift_left3A_705 = arith.shli %xor3A_701, %shift_left3A_704 : vector<3125x128xi32>
    %shift_right_logical3A_706 = arith.constant 17 : i32
    %shift_right_logical3A_707 = vector.broadcast %shift_right_logical3A_706 : i32 to vector<3125x128xi32>
    %shift_right_logical3A_708 = arith.shrui %xor3A_701, %shift_right_logical3A_707 : vector<3125x128xi32>
    %or3A_709 = arith.ori %shift_left3A_705, %shift_right_logical3A_708 : vector<3125x128xi32>
    %xor3A_710 = arith.xori %add3A_702, %or3A_709 : vector<3125x128xi32>
    %add3A_711 = arith.addi %add3A_702, %xor3A_710 : vector<3125x128xi32>
    %shift_left3A_712 = arith.constant 26 : i32
    %shift_left3A_713 = vector.broadcast %shift_left3A_712 : i32 to vector<3125x128xi32>
    %shift_left3A_714 = arith.shli %xor3A_710, %shift_left3A_713 : vector<3125x128xi32>
    %shift_right_logical3A_715 = arith.constant 6 : i32
    %shift_right_logical3A_716 = vector.broadcast %shift_right_logical3A_715 : i32 to vector<3125x128xi32>
    %shift_right_logical3A_717 = arith.shrui %xor3A_710, %shift_right_logical3A_716 : vector<3125x128xi32>
    %or3A_718 = arith.ori %shift_left3A_714, %shift_right_logical3A_717 : vector<3125x128xi32>
    %xor3A_719 = arith.xori %add3A_711, %or3A_718 : vector<3125x128xi32>
    %add3A_720 = arith.addi %add3A_711, %xor3A_719 : vector<3125x128xi32>
    %shift_left3A_721 = arith.constant 6 : i32
    %shift_left3A_722 = vector.broadcast %shift_left3A_721 : i32 to vector<3125x128xi32>
    %shift_left3A_723 = arith.shli %xor3A_719, %shift_left3A_722 : vector<3125x128xi32>
    %shift_right_logical3A_724 = arith.constant 26 : i32
    %shift_right_logical3A_725 = vector.broadcast %shift_right_logical3A_724 : i32 to vector<3125x128xi32>
    %shift_right_logical3A_726 = arith.shrui %xor3A_719, %shift_right_logical3A_725 : vector<3125x128xi32>
    %or3A_727 = arith.ori %shift_left3A_723, %shift_right_logical3A_726 : vector<3125x128xi32>
    %xor3A_728 = arith.xori %add3A_720, %or3A_727 : vector<3125x128xi32>
    %add3A_729 = arith.constant 1821159224 : i32
    %add3A_730 = vector.broadcast %add3A_729 : i32 to vector<3125x128xi32>
    %add3A_731 = arith.addi %add3A_720, %add3A_730 : vector<3125x128xi32>
    %add3A_732 = arith.constant -930722479 : i32
    %add3A_733 = vector.broadcast %add3A_732 : i32 to vector<3125x128xi32>
    %add3A_734 = arith.addi %xor3A_728, %add3A_733 : vector<3125x128xi32>
    %add3A_735 = arith.constant 3 : i32
    %add3A_736 = vector.broadcast %add3A_735 : i32 to vector<3125x128xi32>
    %add3A_737 = arith.addi %add3A_734, %add3A_736 : vector<3125x128xi32>
    %add3A_738 = arith.addi %add3A_731, %add3A_737 : vector<3125x128xi32>
    %shift_left3A_739 = arith.constant 17 : i32
    %shift_left3A_740 = vector.broadcast %shift_left3A_739 : i32 to vector<3125x128xi32>
    %shift_left3A_741 = arith.shli %add3A_737, %shift_left3A_740 : vector<3125x128xi32>
    %shift_right_logical3A_742 = arith.constant 15 : i32
    %shift_right_logical3A_743 = vector.broadcast %shift_right_logical3A_742 : i32 to vector<3125x128xi32>
    %shift_right_logical3A_744 = arith.shrui %add3A_737, %shift_right_logical3A_743 : vector<3125x128xi32>
    %or3A_745 = arith.ori %shift_left3A_741, %shift_right_logical3A_744 : vector<3125x128xi32>
    %xor3A_746 = arith.xori %add3A_738, %or3A_745 : vector<3125x128xi32>
    %add3A_747 = arith.addi %add3A_738, %xor3A_746 : vector<3125x128xi32>
    %shift_left3A_748 = arith.constant 29 : i32
    %shift_left3A_749 = vector.broadcast %shift_left3A_748 : i32 to vector<3125x128xi32>
    %shift_left3A_750 = arith.shli %xor3A_746, %shift_left3A_749 : vector<3125x128xi32>
    %shift_right_logical3A_751 = arith.constant 3 : i32
    %shift_right_logical3A_752 = vector.broadcast %shift_right_logical3A_751 : i32 to vector<3125x128xi32>
    %shift_right_logical3A_753 = arith.shrui %xor3A_746, %shift_right_logical3A_752 : vector<3125x128xi32>
    %or3A_754 = arith.ori %shift_left3A_750, %shift_right_logical3A_753 : vector<3125x128xi32>
    %xor3A_755 = arith.xori %add3A_747, %or3A_754 : vector<3125x128xi32>
    %add3A_756 = arith.addi %add3A_747, %xor3A_755 : vector<3125x128xi32>
    %shift_left3A_757 = arith.constant 16 : i32
    %shift_left3A_758 = vector.broadcast %shift_left3A_757 : i32 to vector<3125x128xi32>
    %shift_left3A_759 = arith.shli %xor3A_755, %shift_left3A_758 : vector<3125x128xi32>
    %shift_right_logical3A_760 = arith.constant 16 : i32
    %shift_right_logical3A_761 = vector.broadcast %shift_right_logical3A_760 : i32 to vector<3125x128xi32>
    %shift_right_logical3A_762 = arith.shrui %xor3A_755, %shift_right_logical3A_761 : vector<3125x128xi32>
    %or3A_763 = arith.ori %shift_left3A_759, %shift_right_logical3A_762 : vector<3125x128xi32>
    %xor3A_764 = arith.xori %add3A_756, %or3A_763 : vector<3125x128xi32>
    %add3A_765 = arith.addi %add3A_756, %xor3A_764 : vector<3125x128xi32>
    %shift_left3A_766 = arith.constant 24 : i32
    %shift_left3A_767 = vector.broadcast %shift_left3A_766 : i32 to vector<3125x128xi32>
    %shift_left3A_768 = arith.shli %xor3A_764, %shift_left3A_767 : vector<3125x128xi32>
    %shift_right_logical3A_769 = arith.constant 8 : i32
    %shift_right_logical3A_770 = vector.broadcast %shift_right_logical3A_769 : i32 to vector<3125x128xi32>
    %shift_right_logical3A_771 = arith.shrui %xor3A_764, %shift_right_logical3A_770 : vector<3125x128xi32>
    %or3A_772 = arith.ori %shift_left3A_768, %shift_right_logical3A_771 : vector<3125x128xi32>
    %xor3A_773 = arith.xori %add3A_765, %or3A_772 : vector<3125x128xi32>
    %add3A_774 = arith.constant -930722479 : i32
    %add3A_775 = vector.broadcast %add3A_774 : i32 to vector<3125x128xi32>
    %add3A_776 = arith.addi %add3A_765, %add3A_775 : vector<3125x128xi32>
    %add3A_777 = arith.constant -1076102733 : i32
    %add3A_778 = vector.broadcast %add3A_777 : i32 to vector<3125x128xi32>
    %add3A_779 = arith.addi %xor3A_773, %add3A_778 : vector<3125x128xi32>
    %add3A_780 = arith.constant 4 : i32
    %add3A_781 = vector.broadcast %add3A_780 : i32 to vector<3125x128xi32>
    %add3A_782 = arith.addi %add3A_779, %add3A_781 : vector<3125x128xi32>
    %add3A_783 = arith.addi %add3A_776, %add3A_782 : vector<3125x128xi32>
    %shift_left3A_784 = arith.constant 13 : i32
    %shift_left3A_785 = vector.broadcast %shift_left3A_784 : i32 to vector<3125x128xi32>
    %shift_left3A_786 = arith.shli %add3A_782, %shift_left3A_785 : vector<3125x128xi32>
    %shift_right_logical3A_787 = arith.constant 19 : i32
    %shift_right_logical3A_788 = vector.broadcast %shift_right_logical3A_787 : i32 to vector<3125x128xi32>
    %shift_right_logical3A_789 = arith.shrui %add3A_782, %shift_right_logical3A_788 : vector<3125x128xi32>
    %or3A_790 = arith.ori %shift_left3A_786, %shift_right_logical3A_789 : vector<3125x128xi32>
    %xor3A_791 = arith.xori %add3A_783, %or3A_790 : vector<3125x128xi32>
    %add3A_792 = arith.addi %add3A_783, %xor3A_791 : vector<3125x128xi32>
    %shift_left3A_793 = arith.constant 15 : i32
    %shift_left3A_794 = vector.broadcast %shift_left3A_793 : i32 to vector<3125x128xi32>
    %shift_left3A_795 = arith.shli %xor3A_791, %shift_left3A_794 : vector<3125x128xi32>
    %shift_right_logical3A_796 = arith.constant 17 : i32
    %shift_right_logical3A_797 = vector.broadcast %shift_right_logical3A_796 : i32 to vector<3125x128xi32>
    %shift_right_logical3A_798 = arith.shrui %xor3A_791, %shift_right_logical3A_797 : vector<3125x128xi32>
    %or3A_799 = arith.ori %shift_left3A_795, %shift_right_logical3A_798 : vector<3125x128xi32>
    %xor3A_800 = arith.xori %add3A_792, %or3A_799 : vector<3125x128xi32>
    %add3A_801 = arith.addi %add3A_792, %xor3A_800 : vector<3125x128xi32>
    %shift_left3A_802 = arith.constant 26 : i32
    %shift_left3A_803 = vector.broadcast %shift_left3A_802 : i32 to vector<3125x128xi32>
    %shift_left3A_804 = arith.shli %xor3A_800, %shift_left3A_803 : vector<3125x128xi32>
    %shift_right_logical3A_805 = arith.constant 6 : i32
    %shift_right_logical3A_806 = vector.broadcast %shift_right_logical3A_805 : i32 to vector<3125x128xi32>
    %shift_right_logical3A_807 = arith.shrui %xor3A_800, %shift_right_logical3A_806 : vector<3125x128xi32>
    %or3A_808 = arith.ori %shift_left3A_804, %shift_right_logical3A_807 : vector<3125x128xi32>
    %xor3A_809 = arith.xori %add3A_801, %or3A_808 : vector<3125x128xi32>
    %add3A_810 = arith.addi %add3A_801, %xor3A_809 : vector<3125x128xi32>
    %shift_left3A_811 = arith.constant 6 : i32
    %shift_left3A_812 = vector.broadcast %shift_left3A_811 : i32 to vector<3125x128xi32>
    %shift_left3A_813 = arith.shli %xor3A_809, %shift_left3A_812 : vector<3125x128xi32>
    %shift_right_logical3A_814 = arith.constant 26 : i32
    %shift_right_logical3A_815 = vector.broadcast %shift_right_logical3A_814 : i32 to vector<3125x128xi32>
    %shift_right_logical3A_816 = arith.shrui %xor3A_809, %shift_right_logical3A_815 : vector<3125x128xi32>
    %or3A_817 = arith.ori %shift_left3A_813, %shift_right_logical3A_816 : vector<3125x128xi32>
    %xor3A_818 = arith.xori %add3A_810, %or3A_817 : vector<3125x128xi32>
    %add3A_819 = arith.constant -1076102733 : i32
    %add3A_820 = vector.broadcast %add3A_819 : i32 to vector<3125x128xi32>
    %add3A_821 = arith.addi %add3A_810, %add3A_820 : vector<3125x128xi32>
    %add3A_822 = arith.constant 1821159224 : i32
    %add3A_823 = vector.broadcast %add3A_822 : i32 to vector<3125x128xi32>
    %add3A_824 = arith.addi %xor3A_818, %add3A_823 : vector<3125x128xi32>
    %add3A_825 = arith.constant 5 : i32
    %add3A_826 = vector.broadcast %add3A_825 : i32 to vector<3125x128xi32>
    %add3A_827 = arith.addi %add3A_824, %add3A_826 : vector<3125x128xi32>
    %add3A_828 = arith.constant 637334850 : i32
    %add3A_829 = vector.broadcast %add3A_828 : i32 to vector<3125x128xi32>
    %add3A_830 = arith.addi %broadcast_in_dim3A_32, %add3A_829 : vector<3125x128xi32>
    %add3A_831 = arith.constant -1015992794 : i32
    %add3A_832 = vector.broadcast %add3A_831 : i32 to vector<3125x128xi32>
    %add3A_833 = arith.addi %add3A_31, %add3A_832 : vector<3125x128xi32>
    %add3A_834 = arith.addi %add3A_830, %add3A_833 : vector<3125x128xi32>
    %shift_left3A_835 = arith.constant 13 : i32
    %shift_left3A_836 = vector.broadcast %shift_left3A_835 : i32 to vector<3125x128xi32>
    %shift_left3A_837 = arith.shli %add3A_833, %shift_left3A_836 : vector<3125x128xi32>
    %shift_right_logical3A_838 = arith.constant 19 : i32
    %shift_right_logical3A_839 = vector.broadcast %shift_right_logical3A_838 : i32 to vector<3125x128xi32>
    %shift_right_logical3A_840 = arith.shrui %add3A_833, %shift_right_logical3A_839 : vector<3125x128xi32>
    %or3A_841 = arith.ori %shift_left3A_837, %shift_right_logical3A_840 : vector<3125x128xi32>
    %xor3A_842 = arith.xori %add3A_834, %or3A_841 : vector<3125x128xi32>
    %add3A_843 = arith.addi %add3A_834, %xor3A_842 : vector<3125x128xi32>
    %shift_left3A_844 = arith.constant 15 : i32
    %shift_left3A_845 = vector.broadcast %shift_left3A_844 : i32 to vector<3125x128xi32>
    %shift_left3A_846 = arith.shli %xor3A_842, %shift_left3A_845 : vector<3125x128xi32>
    %shift_right_logical3A_847 = arith.constant 17 : i32
    %shift_right_logical3A_848 = vector.broadcast %shift_right_logical3A_847 : i32 to vector<3125x128xi32>
    %shift_right_logical3A_849 = arith.shrui %xor3A_842, %shift_right_logical3A_848 : vector<3125x128xi32>
    %or3A_850 = arith.ori %shift_left3A_846, %shift_right_logical3A_849 : vector<3125x128xi32>
    %xor3A_851 = arith.xori %add3A_843, %or3A_850 : vector<3125x128xi32>
    %add3A_852 = arith.addi %add3A_843, %xor3A_851 : vector<3125x128xi32>
    %shift_left3A_853 = arith.constant 26 : i32
    %shift_left3A_854 = vector.broadcast %shift_left3A_853 : i32 to vector<3125x128xi32>
    %shift_left3A_855 = arith.shli %xor3A_851, %shift_left3A_854 : vector<3125x128xi32>
    %shift_right_logical3A_856 = arith.constant 6 : i32
    %shift_right_logical3A_857 = vector.broadcast %shift_right_logical3A_856 : i32 to vector<3125x128xi32>
    %shift_right_logical3A_858 = arith.shrui %xor3A_851, %shift_right_logical3A_857 : vector<3125x128xi32>
    %or3A_859 = arith.ori %shift_left3A_855, %shift_right_logical3A_858 : vector<3125x128xi32>
    %xor3A_860 = arith.xori %add3A_852, %or3A_859 : vector<3125x128xi32>
    %add3A_861 = arith.addi %add3A_852, %xor3A_860 : vector<3125x128xi32>
    %shift_left3A_862 = arith.constant 6 : i32
    %shift_left3A_863 = vector.broadcast %shift_left3A_862 : i32 to vector<3125x128xi32>
    %shift_left3A_864 = arith.shli %xor3A_860, %shift_left3A_863 : vector<3125x128xi32>
    %shift_right_logical3A_865 = arith.constant 26 : i32
    %shift_right_logical3A_866 = vector.broadcast %shift_right_logical3A_865 : i32 to vector<3125x128xi32>
    %shift_right_logical3A_867 = arith.shrui %xor3A_860, %shift_right_logical3A_866 : vector<3125x128xi32>
    %or3A_868 = arith.ori %shift_left3A_864, %shift_right_logical3A_867 : vector<3125x128xi32>
    %xor3A_869 = arith.xori %add3A_861, %or3A_868 : vector<3125x128xi32>
    %add3A_870 = arith.constant -1015992794 : i32
    %add3A_871 = vector.broadcast %add3A_870 : i32 to vector<3125x128xi32>
    %add3A_872 = arith.addi %add3A_861, %add3A_871 : vector<3125x128xi32>
    %add3A_873 = arith.constant -44252994 : i32
    %add3A_874 = vector.broadcast %add3A_873 : i32 to vector<3125x128xi32>
    %add3A_875 = arith.addi %xor3A_869, %add3A_874 : vector<3125x128xi32>
    %add3A_876 = arith.constant 1 : i32
    %add3A_877 = vector.broadcast %add3A_876 : i32 to vector<3125x128xi32>
    %add3A_878 = arith.addi %add3A_875, %add3A_877 : vector<3125x128xi32>
    %add3A_879 = arith.addi %add3A_872, %add3A_878 : vector<3125x128xi32>
    %shift_left3A_880 = arith.constant 17 : i32
    %shift_left3A_881 = vector.broadcast %shift_left3A_880 : i32 to vector<3125x128xi32>
    %shift_left3A_882 = arith.shli %add3A_878, %shift_left3A_881 : vector<3125x128xi32>
    %shift_right_logical3A_883 = arith.constant 15 : i32
    %shift_right_logical3A_884 = vector.broadcast %shift_right_logical3A_883 : i32 to vector<3125x128xi32>
    %shift_right_logical3A_885 = arith.shrui %add3A_878, %shift_right_logical3A_884 : vector<3125x128xi32>
    %or3A_886 = arith.ori %shift_left3A_882, %shift_right_logical3A_885 : vector<3125x128xi32>
    %xor3A_887 = arith.xori %add3A_879, %or3A_886 : vector<3125x128xi32>
    %add3A_888 = arith.addi %add3A_879, %xor3A_887 : vector<3125x128xi32>
    %shift_left3A_889 = arith.constant 29 : i32
    %shift_left3A_890 = vector.broadcast %shift_left3A_889 : i32 to vector<3125x128xi32>
    %shift_left3A_891 = arith.shli %xor3A_887, %shift_left3A_890 : vector<3125x128xi32>
    %shift_right_logical3A_892 = arith.constant 3 : i32
    %shift_right_logical3A_893 = vector.broadcast %shift_right_logical3A_892 : i32 to vector<3125x128xi32>
    %shift_right_logical3A_894 = arith.shrui %xor3A_887, %shift_right_logical3A_893 : vector<3125x128xi32>
    %or3A_895 = arith.ori %shift_left3A_891, %shift_right_logical3A_894 : vector<3125x128xi32>
    %xor3A_896 = arith.xori %add3A_888, %or3A_895 : vector<3125x128xi32>
    %add3A_897 = arith.addi %add3A_888, %xor3A_896 : vector<3125x128xi32>
    %shift_left3A_898 = arith.constant 16 : i32
    %shift_left3A_899 = vector.broadcast %shift_left3A_898 : i32 to vector<3125x128xi32>
    %shift_left3A_900 = arith.shli %xor3A_896, %shift_left3A_899 : vector<3125x128xi32>
    %shift_right_logical3A_901 = arith.constant 16 : i32
    %shift_right_logical3A_902 = vector.broadcast %shift_right_logical3A_901 : i32 to vector<3125x128xi32>
    %shift_right_logical3A_903 = arith.shrui %xor3A_896, %shift_right_logical3A_902 : vector<3125x128xi32>
    %or3A_904 = arith.ori %shift_left3A_900, %shift_right_logical3A_903 : vector<3125x128xi32>
    %xor3A_905 = arith.xori %add3A_897, %or3A_904 : vector<3125x128xi32>
    %add3A_906 = arith.addi %add3A_897, %xor3A_905 : vector<3125x128xi32>
    %shift_left3A_907 = arith.constant 24 : i32
    %shift_left3A_908 = vector.broadcast %shift_left3A_907 : i32 to vector<3125x128xi32>
    %shift_left3A_909 = arith.shli %xor3A_905, %shift_left3A_908 : vector<3125x128xi32>
    %shift_right_logical3A_910 = arith.constant 8 : i32
    %shift_right_logical3A_911 = vector.broadcast %shift_right_logical3A_910 : i32 to vector<3125x128xi32>
    %shift_right_logical3A_912 = arith.shrui %xor3A_905, %shift_right_logical3A_911 : vector<3125x128xi32>
    %or3A_913 = arith.ori %shift_left3A_909, %shift_right_logical3A_912 : vector<3125x128xi32>
    %xor3A_914 = arith.xori %add3A_906, %or3A_913 : vector<3125x128xi32>
    %add3A_915 = arith.constant -44252994 : i32
    %add3A_916 = vector.broadcast %add3A_915 : i32 to vector<3125x128xi32>
    %add3A_917 = arith.addi %add3A_906, %add3A_916 : vector<3125x128xi32>
    %add3A_918 = arith.constant 637334850 : i32
    %add3A_919 = vector.broadcast %add3A_918 : i32 to vector<3125x128xi32>
    %add3A_920 = arith.addi %xor3A_914, %add3A_919 : vector<3125x128xi32>
    %add3A_921 = arith.constant 2 : i32
    %add3A_922 = vector.broadcast %add3A_921 : i32 to vector<3125x128xi32>
    %add3A_923 = arith.addi %add3A_920, %add3A_922 : vector<3125x128xi32>
    %add3A_924 = arith.addi %add3A_917, %add3A_923 : vector<3125x128xi32>
    %shift_left3A_925 = arith.constant 13 : i32
    %shift_left3A_926 = vector.broadcast %shift_left3A_925 : i32 to vector<3125x128xi32>
    %shift_left3A_927 = arith.shli %add3A_923, %shift_left3A_926 : vector<3125x128xi32>
    %shift_right_logical3A_928 = arith.constant 19 : i32
    %shift_right_logical3A_929 = vector.broadcast %shift_right_logical3A_928 : i32 to vector<3125x128xi32>
    %shift_right_logical3A_930 = arith.shrui %add3A_923, %shift_right_logical3A_929 : vector<3125x128xi32>
    %or3A_931 = arith.ori %shift_left3A_927, %shift_right_logical3A_930 : vector<3125x128xi32>
    %xor3A_932 = arith.xori %add3A_924, %or3A_931 : vector<3125x128xi32>
    %add3A_933 = arith.addi %add3A_924, %xor3A_932 : vector<3125x128xi32>
    %shift_left3A_934 = arith.constant 15 : i32
    %shift_left3A_935 = vector.broadcast %shift_left3A_934 : i32 to vector<3125x128xi32>
    %shift_left3A_936 = arith.shli %xor3A_932, %shift_left3A_935 : vector<3125x128xi32>
    %shift_right_logical3A_937 = arith.constant 17 : i32
    %shift_right_logical3A_938 = vector.broadcast %shift_right_logical3A_937 : i32 to vector<3125x128xi32>
    %shift_right_logical3A_939 = arith.shrui %xor3A_932, %shift_right_logical3A_938 : vector<3125x128xi32>
    %or3A_940 = arith.ori %shift_left3A_936, %shift_right_logical3A_939 : vector<3125x128xi32>
    %xor3A_941 = arith.xori %add3A_933, %or3A_940 : vector<3125x128xi32>
    %add3A_942 = arith.addi %add3A_933, %xor3A_941 : vector<3125x128xi32>
    %shift_left3A_943 = arith.constant 26 : i32
    %shift_left3A_944 = vector.broadcast %shift_left3A_943 : i32 to vector<3125x128xi32>
    %shift_left3A_945 = arith.shli %xor3A_941, %shift_left3A_944 : vector<3125x128xi32>
    %shift_right_logical3A_946 = arith.constant 6 : i32
    %shift_right_logical3A_947 = vector.broadcast %shift_right_logical3A_946 : i32 to vector<3125x128xi32>
    %shift_right_logical3A_948 = arith.shrui %xor3A_941, %shift_right_logical3A_947 : vector<3125x128xi32>
    %or3A_949 = arith.ori %shift_left3A_945, %shift_right_logical3A_948 : vector<3125x128xi32>
    %xor3A_950 = arith.xori %add3A_942, %or3A_949 : vector<3125x128xi32>
    %add3A_951 = arith.addi %add3A_942, %xor3A_950 : vector<3125x128xi32>
    %shift_left3A_952 = arith.constant 6 : i32
    %shift_left3A_953 = vector.broadcast %shift_left3A_952 : i32 to vector<3125x128xi32>
    %shift_left3A_954 = arith.shli %xor3A_950, %shift_left3A_953 : vector<3125x128xi32>
    %shift_right_logical3A_955 = arith.constant 26 : i32
    %shift_right_logical3A_956 = vector.broadcast %shift_right_logical3A_955 : i32 to vector<3125x128xi32>
    %shift_right_logical3A_957 = arith.shrui %xor3A_950, %shift_right_logical3A_956 : vector<3125x128xi32>
    %or3A_958 = arith.ori %shift_left3A_954, %shift_right_logical3A_957 : vector<3125x128xi32>
    %xor3A_959 = arith.xori %add3A_951, %or3A_958 : vector<3125x128xi32>
    %add3A_960 = arith.constant 637334850 : i32
    %add3A_961 = vector.broadcast %add3A_960 : i32 to vector<3125x128xi32>
    %add3A_962 = arith.addi %add3A_951, %add3A_961 : vector<3125x128xi32>
    %add3A_963 = arith.constant -1015992794 : i32
    %add3A_964 = vector.broadcast %add3A_963 : i32 to vector<3125x128xi32>
    %add3A_965 = arith.addi %xor3A_959, %add3A_964 : vector<3125x128xi32>
    %add3A_966 = arith.constant 3 : i32
    %add3A_967 = vector.broadcast %add3A_966 : i32 to vector<3125x128xi32>
    %add3A_968 = arith.addi %add3A_965, %add3A_967 : vector<3125x128xi32>
    %add3A_969 = arith.addi %add3A_962, %add3A_968 : vector<3125x128xi32>
    %shift_left3A_970 = arith.constant 17 : i32
    %shift_left3A_971 = vector.broadcast %shift_left3A_970 : i32 to vector<3125x128xi32>
    %shift_left3A_972 = arith.shli %add3A_968, %shift_left3A_971 : vector<3125x128xi32>
    %shift_right_logical3A_973 = arith.constant 15 : i32
    %shift_right_logical3A_974 = vector.broadcast %shift_right_logical3A_973 : i32 to vector<3125x128xi32>
    %shift_right_logical3A_975 = arith.shrui %add3A_968, %shift_right_logical3A_974 : vector<3125x128xi32>
    %or3A_976 = arith.ori %shift_left3A_972, %shift_right_logical3A_975 : vector<3125x128xi32>
    %xor3A_977 = arith.xori %add3A_969, %or3A_976 : vector<3125x128xi32>
    %add3A_978 = arith.addi %add3A_969, %xor3A_977 : vector<3125x128xi32>
    %shift_left3A_979 = arith.constant 29 : i32
    %shift_left3A_980 = vector.broadcast %shift_left3A_979 : i32 to vector<3125x128xi32>
    %shift_left3A_981 = arith.shli %xor3A_977, %shift_left3A_980 : vector<3125x128xi32>
    %shift_right_logical3A_982 = arith.constant 3 : i32
    %shift_right_logical3A_983 = vector.broadcast %shift_right_logical3A_982 : i32 to vector<3125x128xi32>
    %shift_right_logical3A_984 = arith.shrui %xor3A_977, %shift_right_logical3A_983 : vector<3125x128xi32>
    %or3A_985 = arith.ori %shift_left3A_981, %shift_right_logical3A_984 : vector<3125x128xi32>
    %xor3A_986 = arith.xori %add3A_978, %or3A_985 : vector<3125x128xi32>
    %add3A_987 = arith.addi %add3A_978, %xor3A_986 : vector<3125x128xi32>
    %shift_left3A_988 = arith.constant 16 : i32
    %shift_left3A_989 = vector.broadcast %shift_left3A_988 : i32 to vector<3125x128xi32>
    %shift_left3A_990 = arith.shli %xor3A_986, %shift_left3A_989 : vector<3125x128xi32>
    %shift_right_logical3A_991 = arith.constant 16 : i32
    %shift_right_logical3A_992 = vector.broadcast %shift_right_logical3A_991 : i32 to vector<3125x128xi32>
    %shift_right_logical3A_993 = arith.shrui %xor3A_986, %shift_right_logical3A_992 : vector<3125x128xi32>
    %or3A_994 = arith.ori %shift_left3A_990, %shift_right_logical3A_993 : vector<3125x128xi32>
    %xor3A_995 = arith.xori %add3A_987, %or3A_994 : vector<3125x128xi32>
    %add3A_996 = arith.addi %add3A_987, %xor3A_995 : vector<3125x128xi32>
    %shift_left3A_997 = arith.constant 24 : i32
    %shift_left3A_998 = vector.broadcast %shift_left3A_997 : i32 to vector<3125x128xi32>
    %shift_left3A_999 = arith.shli %xor3A_995, %shift_left3A_998 : vector<3125x128xi32>
    %shift_right_logical3A_1000 = arith.constant 8 : i32
    %shift_right_logical3A_1001 = vector.broadcast %shift_right_logical3A_1000 : i32 to vector<3125x128xi32>
    %shift_right_logical3A_1002 = arith.shrui %xor3A_995, %shift_right_logical3A_1001 : vector<3125x128xi32>
    %or3A_1003 = arith.ori %shift_left3A_999, %shift_right_logical3A_1002 : vector<3125x128xi32>
    %xor3A_1004 = arith.xori %add3A_996, %or3A_1003 : vector<3125x128xi32>
    %add3A_1005 = arith.constant -1015992794 : i32
    %add3A_1006 = vector.broadcast %add3A_1005 : i32 to vector<3125x128xi32>
    %add3A_1007 = arith.addi %add3A_996, %add3A_1006 : vector<3125x128xi32>
    %add3A_1008 = arith.constant -44252994 : i32
    %add3A_1009 = vector.broadcast %add3A_1008 : i32 to vector<3125x128xi32>
    %add3A_1010 = arith.addi %xor3A_1004, %add3A_1009 : vector<3125x128xi32>
    %add3A_1011 = arith.constant 4 : i32
    %add3A_1012 = vector.broadcast %add3A_1011 : i32 to vector<3125x128xi32>
    %add3A_1013 = arith.addi %add3A_1010, %add3A_1012 : vector<3125x128xi32>
    %add3A_1014 = arith.addi %add3A_1007, %add3A_1013 : vector<3125x128xi32>
    %shift_left3A_1015 = arith.constant 13 : i32
    %shift_left3A_1016 = vector.broadcast %shift_left3A_1015 : i32 to vector<3125x128xi32>
    %shift_left3A_1017 = arith.shli %add3A_1013, %shift_left3A_1016 : vector<3125x128xi32>
    %shift_right_logical3A_1018 = arith.constant 19 : i32
    %shift_right_logical3A_1019 = vector.broadcast %shift_right_logical3A_1018 : i32 to vector<3125x128xi32>
    %shift_right_logical3A_1020 = arith.shrui %add3A_1013, %shift_right_logical3A_1019 : vector<3125x128xi32>
    %or3A_1021 = arith.ori %shift_left3A_1017, %shift_right_logical3A_1020 : vector<3125x128xi32>
    %xor3A_1022 = arith.xori %add3A_1014, %or3A_1021 : vector<3125x128xi32>
    %add3A_1023 = arith.addi %add3A_1014, %xor3A_1022 : vector<3125x128xi32>
    %shift_left3A_1024 = arith.constant 15 : i32
    %shift_left3A_1025 = vector.broadcast %shift_left3A_1024 : i32 to vector<3125x128xi32>
    %shift_left3A_1026 = arith.shli %xor3A_1022, %shift_left3A_1025 : vector<3125x128xi32>
    %shift_right_logical3A_1027 = arith.constant 17 : i32
    %shift_right_logical3A_1028 = vector.broadcast %shift_right_logical3A_1027 : i32 to vector<3125x128xi32>
    %shift_right_logical3A_1029 = arith.shrui %xor3A_1022, %shift_right_logical3A_1028 : vector<3125x128xi32>
    %or3A_1030 = arith.ori %shift_left3A_1026, %shift_right_logical3A_1029 : vector<3125x128xi32>
    %xor3A_1031 = arith.xori %add3A_1023, %or3A_1030 : vector<3125x128xi32>
    %add3A_1032 = arith.addi %add3A_1023, %xor3A_1031 : vector<3125x128xi32>
    %shift_left3A_1033 = arith.constant 26 : i32
    %shift_left3A_1034 = vector.broadcast %shift_left3A_1033 : i32 to vector<3125x128xi32>
    %shift_left3A_1035 = arith.shli %xor3A_1031, %shift_left3A_1034 : vector<3125x128xi32>
    %shift_right_logical3A_1036 = arith.constant 6 : i32
    %shift_right_logical3A_1037 = vector.broadcast %shift_right_logical3A_1036 : i32 to vector<3125x128xi32>
    %shift_right_logical3A_1038 = arith.shrui %xor3A_1031, %shift_right_logical3A_1037 : vector<3125x128xi32>
    %or3A_1039 = arith.ori %shift_left3A_1035, %shift_right_logical3A_1038 : vector<3125x128xi32>
    %xor3A_1040 = arith.xori %add3A_1032, %or3A_1039 : vector<3125x128xi32>
    %add3A_1041 = arith.addi %add3A_1032, %xor3A_1040 : vector<3125x128xi32>
    %shift_left3A_1042 = arith.constant 6 : i32
    %shift_left3A_1043 = vector.broadcast %shift_left3A_1042 : i32 to vector<3125x128xi32>
    %shift_left3A_1044 = arith.shli %xor3A_1040, %shift_left3A_1043 : vector<3125x128xi32>
    %shift_right_logical3A_1045 = arith.constant 26 : i32
    %shift_right_logical3A_1046 = vector.broadcast %shift_right_logical3A_1045 : i32 to vector<3125x128xi32>
    %shift_right_logical3A_1047 = arith.shrui %xor3A_1040, %shift_right_logical3A_1046 : vector<3125x128xi32>
    %or3A_1048 = arith.ori %shift_left3A_1044, %shift_right_logical3A_1047 : vector<3125x128xi32>
    %xor3A_1049 = arith.xori %add3A_1041, %or3A_1048 : vector<3125x128xi32>
    %add3A_1050 = arith.constant -44252994 : i32
    %add3A_1051 = vector.broadcast %add3A_1050 : i32 to vector<3125x128xi32>
    %add3A_1052 = arith.addi %add3A_1041, %add3A_1051 : vector<3125x128xi32>
    %add3A_1053 = arith.constant 637334850 : i32
    %add3A_1054 = vector.broadcast %add3A_1053 : i32 to vector<3125x128xi32>
    %add3A_1055 = arith.addi %xor3A_1049, %add3A_1054 : vector<3125x128xi32>
    %add3A_1056 = arith.constant 5 : i32
    %add3A_1057 = vector.broadcast %add3A_1056 : i32 to vector<3125x128xi32>
    %add3A_1058 = arith.addi %add3A_1055, %add3A_1057 : vector<3125x128xi32>
    %xor3A_1059 = arith.xori %add3A_821, %add3A_827 : vector<3125x128xi32>
    %xor3A_1060 = arith.xori %add3A_1052, %add3A_1058 : vector<3125x128xi32>
    %shift_right_logical3A_1061 = arith.constant 16 : i32
    %shift_right_logical3A_1062 = vector.broadcast %shift_right_logical3A_1061 : i32 to vector<3125x128xi32>
    %shift_right_logical3A_1063 = arith.shrui %xor3A_1059, %shift_right_logical3A_1062 : vector<3125x128xi32>
    %mul3A_1064 = arith.constant 10656 : i32
    %mul3A_1065 = vector.broadcast %mul3A_1064 : i32 to vector<3125x128xi32>
    %mul3A_1066 = arith.muli %shift_right_logical3A_1063, %mul3A_1065 : vector<3125x128xi32>
    %and3A_1067 = arith.constant 65535 : i32
    %and3A_1068 = vector.broadcast %and3A_1067 : i32 to vector<3125x128xi32>
    %and3A_1069 = arith.andi %xor3A_1059, %and3A_1068 : vector<3125x128xi32>
    %mul3A_1070 = arith.constant 17296 : i32
    %mul3A_1071 = vector.broadcast %mul3A_1070 : i32 to vector<3125x128xi32>
    %mul3A_1072 = arith.muli %and3A_1069, %mul3A_1071 : vector<3125x128xi32>
    %add3A_1073 = arith.addi %mul3A_1066, %mul3A_1072 : vector<3125x128xi32>
    %shift_right_logical3A_1074 = arith.constant 16 : i32
    %shift_right_logical3A_1075 = vector.broadcast %shift_right_logical3A_1074 : i32 to vector<3125x128xi32>
    %shift_right_logical3A_1076 = arith.shrui %xor3A_1060, %shift_right_logical3A_1075 : vector<3125x128xi32>
    %mul3A_1077 = arith.constant 15536 : i32
    %mul3A_1078 = vector.broadcast %mul3A_1077 : i32 to vector<3125x128xi32>
    %mul3A_1079 = arith.muli %shift_right_logical3A_1076, %mul3A_1078 : vector<3125x128xi32>
    %add3A_1080 = arith.addi %add3A_1073, %mul3A_1079 : vector<3125x128xi32>
    %and3A_1081 = arith.constant 65535 : i32
    %and3A_1082 = vector.broadcast %and3A_1081 : i32 to vector<3125x128xi32>
    %and3A_1083 = arith.andi %xor3A_1060, %and3A_1082 : vector<3125x128xi32>
    %add3A_1084 = arith.addi %add3A_1080, %and3A_1083 : vector<3125x128xi32>
    %shift_right_logical3A_1085 = arith.constant 24 : i32
    %shift_right_logical3A_1086 = vector.broadcast %shift_right_logical3A_1085 : i32 to vector<3125x128xi32>
    %shift_right_logical3A_1087 = arith.shrui %add3A_1084, %shift_right_logical3A_1086 : vector<3125x128xi32>
    %mul3A_1088 = arith.constant 27216 : i32
    %mul3A_1089 = vector.broadcast %mul3A_1088 : i32 to vector<3125x128xi32>
    %mul3A_1090 = arith.muli %shift_right_logical3A_1087, %mul3A_1089 : vector<3125x128xi32>
    %and3A_1091 = arith.constant 16777215 : i32
    %and3A_1092 = vector.broadcast %and3A_1091 : i32 to vector<3125x128xi32>
    %and3A_1093 = arith.andi %add3A_1084, %and3A_1092 : vector<3125x128xi32>
    %add3A_1094 = arith.addi %mul3A_1090, %and3A_1093 : vector<3125x128xi32>
    %shift_right_logical3A_1095 = arith.constant 16 : i32
    %shift_right_logical3A_1096 = vector.broadcast %shift_right_logical3A_1095 : i32 to vector<3125x128xi32>
    %shift_right_logical3A_1097 = arith.shrui %add3A_1094, %shift_right_logical3A_1096 : vector<3125x128xi32>
    %mul3A_1098 = arith.constant 15536 : i32
    %mul3A_1099 = vector.broadcast %mul3A_1098 : i32 to vector<3125x128xi32>
    %mul3A_1100 = arith.muli %shift_right_logical3A_1097, %mul3A_1099 : vector<3125x128xi32>
    %and3A_1101 = arith.constant 65535 : i32
    %and3A_1102 = vector.broadcast %and3A_1101 : i32 to vector<3125x128xi32>
    %and3A_1103 = arith.andi %add3A_1094, %and3A_1102 : vector<3125x128xi32>
    %add3A_1104 = arith.addi %mul3A_1100, %and3A_1103 : vector<3125x128xi32>
    %shift_right_logical3A_1105 = arith.constant 16 : i32
    %shift_right_logical3A_1106 = vector.broadcast %shift_right_logical3A_1105 : i32 to vector<3125x128xi32>
    %shift_right_logical3A_1107 = arith.shrui %add3A_1104, %shift_right_logical3A_1106 : vector<3125x128xi32>
    %mul3A_1108 = arith.constant 15536 : i32
    %mul3A_1109 = vector.broadcast %mul3A_1108 : i32 to vector<3125x128xi32>
    %mul3A_1110 = arith.muli %shift_right_logical3A_1107, %mul3A_1109 : vector<3125x128xi32>
    %and3A_1111 = arith.constant 65535 : i32
    %and3A_1112 = vector.broadcast %and3A_1111 : i32 to vector<3125x128xi32>
    %and3A_1113 = arith.andi %add3A_1104, %and3A_1112 : vector<3125x128xi32>
    %add3A_1114 = arith.addi %mul3A_1110, %and3A_1113 : vector<3125x128xi32>
    %shift_right_logical3A_1115 = arith.constant 16 : i32
    %shift_right_logical3A_1116 = vector.broadcast %shift_right_logical3A_1115 : i32 to vector<3125x128xi32>
    %shift_right_logical3A_1117 = arith.shrui %add3A_1114, %shift_right_logical3A_1116 : vector<3125x128xi32>
    %mul3A_1118 = arith.constant 15536 : i32
    %mul3A_1119 = vector.broadcast %mul3A_1118 : i32 to vector<3125x128xi32>
    %mul3A_1120 = arith.muli %shift_right_logical3A_1117, %mul3A_1119 : vector<3125x128xi32>
    %and3A_1121 = arith.constant 65535 : i32
    %and3A_1122 = vector.broadcast %and3A_1121 : i32 to vector<3125x128xi32>
    %and3A_1123 = arith.andi %add3A_1114, %and3A_1122 : vector<3125x128xi32>
    %add3A_1124 = arith.addi %mul3A_1120, %and3A_1123 : vector<3125x128xi32>
    %shift_right_logical3A_1125 = arith.constant 16 : i32
    %shift_right_logical3A_1126 = vector.broadcast %shift_right_logical3A_1125 : i32 to vector<3125x128xi32>
    %shift_right_logical3A_1127 = arith.shrui %add3A_1124, %shift_right_logical3A_1126 : vector<3125x128xi32>
    %mul3A_1128 = arith.constant 15536 : i32
    %mul3A_1129 = vector.broadcast %mul3A_1128 : i32 to vector<3125x128xi32>
    %mul3A_1130 = arith.muli %shift_right_logical3A_1127, %mul3A_1129 : vector<3125x128xi32>
    %and3A_1131 = arith.constant 65535 : i32
    %and3A_1132 = vector.broadcast %and3A_1131 : i32 to vector<3125x128xi32>
    %and3A_1133 = arith.andi %add3A_1124, %and3A_1132 : vector<3125x128xi32>
    %add3A_1134 = arith.addi %mul3A_1130, %and3A_1133 : vector<3125x128xi32>
    %shift_right_logical3A_1135 = arith.constant 16 : i32
    %shift_right_logical3A_1136 = vector.broadcast %shift_right_logical3A_1135 : i32 to vector<3125x128xi32>
    %shift_right_logical3A_1137 = arith.shrui %add3A_1134, %shift_right_logical3A_1136 : vector<3125x128xi32>
    %mul3A_1138 = arith.constant 15536 : i32
    %mul3A_1139 = vector.broadcast %mul3A_1138 : i32 to vector<3125x128xi32>
    %mul3A_1140 = arith.muli %shift_right_logical3A_1137, %mul3A_1139 : vector<3125x128xi32>
    %and3A_1141 = arith.constant 65535 : i32
    %and3A_1142 = vector.broadcast %and3A_1141 : i32 to vector<3125x128xi32>
    %and3A_1143 = arith.andi %add3A_1134, %and3A_1142 : vector<3125x128xi32>
    %add3A_1144 = arith.addi %mul3A_1140, %and3A_1143 : vector<3125x128xi32>
    %ge3A_1145 = arith.constant 100000 : i32
    %ge3A_1146 = vector.broadcast %ge3A_1145 : i32 to vector<3125x128xi32>
    %ge3A_1147 = arith.cmpi uge, %add3A_1144, %ge3A_1146 : vector<3125x128xi32>
    %sub3A_1148 = arith.constant 100000 : i32
    %sub3A_1149 = vector.broadcast %sub3A_1148 : i32 to vector<3125x128xi32>
    %sub3A_1150 = arith.subi %add3A_1144, %sub3A_1149 : vector<3125x128xi32>
    %select_n3A_1151 = arith.select %ge3A_1147, %sub3A_1150, %add3A_1144 : vector<3125x128xi1>, vector<3125x128xi32>
    %ge3A_1152 = arith.constant 50000 : i32
    %ge3A_1153 = vector.broadcast %ge3A_1152 : i32 to vector<3125x128xi32>
    %ge3A_1154 = arith.cmpi uge, %select_n3A_1151, %ge3A_1153 : vector<3125x128xi32>
    %sub3A_1155 = arith.constant 50000 : i32
    %sub3A_1156 = vector.broadcast %sub3A_1155 : i32 to vector<3125x128xi32>
    %sub3A_1157 = arith.subi %select_n3A_1151, %sub3A_1156 : vector<3125x128xi32>
    %select_n3A_1158 = arith.select %ge3A_1154, %sub3A_1157, %select_n3A_1151 : vector<3125x128xi1>, vector<3125x128xi32>
    %mul3A_1159 = arith.constant 50000 : i32
    %mul3A_1160 = vector.broadcast %mul3A_1159 : i32 to vector<3125x128xi32>
    %mul3A_1161 = arith.muli %convert_element_type3A_11, %mul3A_1160 : vector<3125x128xi32>
    %add3A_1162 = arith.addi %select_n3A_1158, %mul3A_1161 : vector<3125x128xi32>
    %swap3A_1163 = arith.constant 0 : index
    %swap3A_1164 = arith.constant 0 : index
    %swap3A_1165 = vector.load %arg2[%swap3A_1163, %swap3A_1164] : memref<3125x128xi32, #tpu.memory_space<vmem>>, vector<3125x128xi32>
    tpu.vector_store %arg2[%swap3A_1163, %swap3A_1164], %add3A_1162 {strides = array<i32>} : memref<3125x128xi32, #tpu.memory_space<vmem>>, vector<3125x128xi32>,
    return
  }
  func.func @transform_0(%arg0: i32) -> (i32, i32) {
    %c0_i32 = arith.constant 0 : i32
    %c0_i32_0 = arith.constant 0 : i32
    %c0_i32_1 = arith.constant 0 : i32
    return %c0_i32, %c0_i32_0 : i32, i32
  }
  func.func @transform_1(%arg0: i32) -> (i32, i32) {
    %c0_i32 = arith.constant 0 : i32
    %c0_i32_0 = arith.constant 0 : i32
    %c0_i32_1 = arith.constant 0 : i32
    return %c0_i32, %c0_i32_0 : i32, i32
  }
}

module attributes {stable_mosaic.version = 14 : i64} {
  func.func @_mlp_body(%arg0: i32, %arg1: memref<4000x40xf32, #tpu.memory_space<vmem>>, %arg2: memref<4000x128xf32, #tpu.memory_space<vmem>>, %arg3: memref<4000x128xf32, #tpu.memory_space<vmem>>, %arg4: memref<4000x128xf32, #tpu.memory_space<vmem>>, %arg5: memref<4000x128xf32, #tpu.memory_space<vmem>>, %arg6: memref<40x40xf32, #tpu.memory_space<vmem>>, %arg7: memref<128x80xf32, #tpu.memory_space<vmem>>, %arg8: memref<128x80xf32, #tpu.memory_space<vmem>>, %arg9: memref<1x40xf32, #tpu.memory_space<vmem>>, %arg10: memref<40x40xf32, #tpu.memory_space<vmem>>, %arg11: memref<1x40xf32, #tpu.memory_space<vmem>>, %arg12: memref<4000x40xf32, #tpu.memory_space<vmem>>) attributes {dimension_semantics = [#tpu.dimension_semantics<arbitrary>], iteration_bounds = array<i64: 25>, scalar_prefetch = 0 : i64, scratch_operands = 0 : i64, tpu.core_type = #tpu.core_type<tc>, window_params = [{transform_indices = @transform_0, window_bounds = array<i64: 4000, 40>}, {transform_indices = @transform_1, window_bounds = array<i64: 4000, 128>}, {transform_indices = @transform_2, window_bounds = array<i64: 4000, 128>}, {transform_indices = @transform_3, window_bounds = array<i64: 4000, 128>}, {transform_indices = @transform_4, window_bounds = array<i64: 4000, 128>}, {pipeline_mode = #tpu.pipeline_mode<synchronous>, transform_indices = @transform_5, window_bounds = array<i64: 40, 40>}, {pipeline_mode = #tpu.pipeline_mode<synchronous>, transform_indices = @transform_6, window_bounds = array<i64: 128, 80>}, {pipeline_mode = #tpu.pipeline_mode<synchronous>, transform_indices = @transform_7, window_bounds = array<i64: 128, 80>}, {pipeline_mode = #tpu.pipeline_mode<synchronous>, transform_indices = @transform_8, window_bounds = array<i64: 1, 40>}, {pipeline_mode = #tpu.pipeline_mode<synchronous>, transform_indices = @transform_9, window_bounds = array<i64: 40, 40>}, {pipeline_mode = #tpu.pipeline_mode<synchronous>, transform_indices = @transform_10, window_bounds = array<i64: 1, 40>}, {transform_indices = @transform_11, window_bounds = array<i64: 4000, 40>}]} {
    %get3A = arith.constant 0 : index
    %get3A_0 = arith.constant 0 : index
    %get3A_1 = vector.load %arg1[%get3A, %get3A_0] : memref<4000x40xf32, #tpu.memory_space<vmem>>, vector<4000x40xf32>
    %get3A_2 = arith.constant 0 : index
    %get3A_3 = arith.constant 0 : index
    %get3A_4 = vector.load %arg6[%get3A_2, %get3A_3] : memref<40x40xf32, #tpu.memory_space<vmem>>, vector<40x40xf32>
    %dot_general3A = arith.constant dense<0.000000e+00> : vector<4000x40xf32>
    %dot_general3A_5 = tpu.matmul %get3A_1, %get3A_4, %dot_general3A {dimension_numbers = #tpu.dot_dimension_numbers<[1], [0], [0], [1], [0, 0, 1, 1], [], []>, transpose_lhs_hint = false} : vector<4000x40xf32>, vector<40x40xf32>, vector<4000x40xf32> -> vector<4000x40xf32>
    %get3A_6 = arith.constant 0 : index
    %get3A_7 = arith.constant 0 : index
    %get3A_8 = vector.load %arg9[%get3A_6, %get3A_7] : memref<1x40xf32, #tpu.memory_space<vmem>>, vector<1x40xf32>
    %add3A = vector.broadcast %get3A_8 : vector<1x40xf32> to vector<4000x40xf32>
    %add3A_9 = arith.addf %dot_general3A_5, %add3A : vector<4000x40xf32>
    %concatenate3A = tpu.concatenate %add3A_9, %add3A_9 in 1 : vector<4000x40xf32>, vector<4000x40xf32> -> vector<4000x80xf32>
    %get3A_10 = arith.constant 0 : index
    %get3A_11 = arith.constant 0 : index
    %get3A_12 = vector.load %arg2[%get3A_10, %get3A_11] : memref<4000x128xf32, #tpu.memory_space<vmem>>, vector<4000x128xf32>
    %get3A_13 = arith.constant 0 : index
    %get3A_14 = arith.constant 0 : index
    %get3A_15 = vector.load %arg7[%get3A_13, %get3A_14] : memref<128x80xf32, #tpu.memory_space<vmem>>, vector<128x80xf32>
    %dot_general3A_16 = arith.constant dense<0.000000e+00> : vector<4000x80xf32>
    %dot_general3A_17 = tpu.matmul %get3A_12, %get3A_15, %dot_general3A_16 {dimension_numbers = #tpu.dot_dimension_numbers<[1], [0], [0], [1], [0, 0, 1, 1], [], []>, transpose_lhs_hint = false} : vector<4000x128xf32>, vector<128x80xf32>, vector<4000x80xf32> -> vector<4000x80xf32>
    %add3A_18 = arith.addf %concatenate3A, %dot_general3A_17 : vector<4000x80xf32>
    %get3A_19 = arith.constant 0 : index
    %get3A_20 = arith.constant 0 : index
    %get3A_21 = vector.load %arg4[%get3A_19, %get3A_20] : memref<4000x128xf32, #tpu.memory_space<vmem>>, vector<4000x128xf32>
    %get3A_22 = arith.constant 0 : index
    %get3A_23 = arith.constant 0 : index
    %get3A_24 = vector.load %arg8[%get3A_22, %get3A_23] : memref<128x80xf32, #tpu.memory_space<vmem>>, vector<128x80xf32>
    %dot_general3A_25 = arith.constant dense<0.000000e+00> : vector<4000x80xf32>
    %dot_general3A_26 = tpu.matmul %get3A_21, %get3A_24, %dot_general3A_25 {dimension_numbers = #tpu.dot_dimension_numbers<[1], [0], [0], [1], [0, 0, 1, 1], [], []>, transpose_lhs_hint = false} : vector<4000x128xf32>, vector<128x80xf32>, vector<4000x80xf32> -> vector<4000x80xf32>
    %add3A_27 = arith.addf %add3A_18, %dot_general3A_26 : vector<4000x80xf32>
    %get3A_28 = arith.constant 0 : index
    %get3A_29 = arith.constant 0 : index
    %get3A_30 = vector.load %arg3[%get3A_28, %get3A_29] : memref<4000x128xf32, #tpu.memory_space<vmem>>, vector<4000x128xf32>
    %get3A_31 = arith.constant 0 : index
    %get3A_32 = arith.constant 0 : index
    %get3A_33 = vector.load %arg7[%get3A_31, %get3A_32] : memref<128x80xf32, #tpu.memory_space<vmem>>, vector<128x80xf32>
    %dot_general3A_34 = arith.constant dense<0.000000e+00> : vector<4000x80xf32>
    %dot_general3A_35 = tpu.matmul %get3A_30, %get3A_33, %dot_general3A_34 {dimension_numbers = #tpu.dot_dimension_numbers<[1], [0], [0], [1], [0, 0, 1, 1], [], []>, transpose_lhs_hint = false} : vector<4000x128xf32>, vector<128x80xf32>, vector<4000x80xf32> -> vector<4000x80xf32>
    %add3A_36 = arith.addf %concatenate3A, %dot_general3A_35 : vector<4000x80xf32>
    %get3A_37 = arith.constant 0 : index
    %get3A_38 = arith.constant 0 : index
    %get3A_39 = vector.load %arg5[%get3A_37, %get3A_38] : memref<4000x128xf32, #tpu.memory_space<vmem>>, vector<4000x128xf32>
    %get3A_40 = arith.constant 0 : index
    %get3A_41 = arith.constant 0 : index
    %get3A_42 = vector.load %arg8[%get3A_40, %get3A_41] : memref<128x80xf32, #tpu.memory_space<vmem>>, vector<128x80xf32>
    %dot_general3A_43 = arith.constant dense<0.000000e+00> : vector<4000x80xf32>
    %dot_general3A_44 = tpu.matmul %get3A_39, %get3A_42, %dot_general3A_43 {dimension_numbers = #tpu.dot_dimension_numbers<[1], [0], [0], [1], [0, 0, 1, 1], [], []>, transpose_lhs_hint = false} : vector<4000x128xf32>, vector<128x80xf32>, vector<4000x80xf32> -> vector<4000x80xf32>
    %add3A_45 = arith.addf %add3A_36, %dot_general3A_44 : vector<4000x80xf32>
    %integer_pow3A = arith.mulf %add3A_27, %add3A_27 : vector<4000x80xf32>
    %integer_pow3A_46 = arith.mulf %add3A_27, %integer_pow3A : vector<4000x80xf32>
    %mul3A = arith.constant 4.471500e-02 : f32
    %mul3A_47 = vector.broadcast %mul3A : f32 to vector<4000x80xf32>
    %mul3A_48 = arith.mulf %mul3A_47, %integer_pow3A_46 : vector<4000x80xf32>
    %add3A_49 = arith.addf %add3A_27, %mul3A_48 : vector<4000x80xf32>
    %mul3A_50 = arith.constant 0.797884583 : f32
    %mul3A_51 = vector.broadcast %mul3A_50 : f32 to vector<4000x80xf32>
    %mul3A_52 = arith.mulf %mul3A_51, %add3A_49 : vector<4000x80xf32>
    %tanh3A = math.tanh %mul3A_52 : vector<4000x80xf32>
    %add3A_53 = arith.constant 1.000000e+00 : f32
    %add3A_54 = vector.broadcast %add3A_53 : f32 to vector<4000x80xf32>
    %add3A_55 = arith.addf %add3A_54, %tanh3A : vector<4000x80xf32>
    %mul3A_56 = arith.constant 5.000000e-01 : f32
    %mul3A_57 = vector.broadcast %mul3A_56 : f32 to vector<4000x80xf32>
    %mul3A_58 = arith.mulf %mul3A_57, %add3A_55 : vector<4000x80xf32>
    %mul3A_59 = arith.mulf %add3A_27, %mul3A_58 : vector<4000x80xf32>
    %integer_pow3A_60 = arith.mulf %add3A_45, %add3A_45 : vector<4000x80xf32>
    %integer_pow3A_61 = arith.mulf %add3A_45, %integer_pow3A_60 : vector<4000x80xf32>
    %mul3A_62 = arith.constant 4.471500e-02 : f32
    %mul3A_63 = vector.broadcast %mul3A_62 : f32 to vector<4000x80xf32>
    %mul3A_64 = arith.mulf %mul3A_63, %integer_pow3A_61 : vector<4000x80xf32>
    %add3A_65 = arith.addf %add3A_45, %mul3A_64 : vector<4000x80xf32>
    %mul3A_66 = arith.constant 0.797884583 : f32
    %mul3A_67 = vector.broadcast %mul3A_66 : f32 to vector<4000x80xf32>
    %mul3A_68 = arith.mulf %mul3A_67, %add3A_65 : vector<4000x80xf32>
    %tanh3A_69 = math.tanh %mul3A_68 : vector<4000x80xf32>
    %add3A_70 = arith.constant 1.000000e+00 : f32
    %add3A_71 = vector.broadcast %add3A_70 : f32 to vector<4000x80xf32>
    %add3A_72 = arith.addf %add3A_71, %tanh3A_69 : vector<4000x80xf32>
    %mul3A_73 = arith.constant 5.000000e-01 : f32
    %mul3A_74 = vector.broadcast %mul3A_73 : f32 to vector<4000x80xf32>
    %mul3A_75 = arith.mulf %mul3A_74, %add3A_72 : vector<4000x80xf32>
    %mul3A_76 = arith.mulf %add3A_45, %mul3A_75 : vector<4000x80xf32>
    %slice3A = vector.extract_strided_slice %mul3A_59 {offsets = [0, 0], sizes = [4000, 40], strides = [1, 1]} : vector<4000x80xf32> to vector<4000x40xf32>
    %slice3A_77 = vector.extract_strided_slice %mul3A_59 {offsets = [0, 40], sizes = [4000, 40], strides = [1, 1]} : vector<4000x80xf32> to vector<4000x40xf32>
    %add3A_78 = arith.addf %slice3A, %slice3A_77 : vector<4000x40xf32>
    %slice3A_79 = vector.extract_strided_slice %mul3A_76 {offsets = [0, 0], sizes = [4000, 40], strides = [1, 1]} : vector<4000x80xf32> to vector<4000x40xf32>
    %add3A_80 = arith.addf %add3A_78, %slice3A_79 : vector<4000x40xf32>
    %slice3A_81 = vector.extract_strided_slice %mul3A_76 {offsets = [0, 40], sizes = [4000, 40], strides = [1, 1]} : vector<4000x80xf32> to vector<4000x40xf32>
    %add3A_82 = arith.addf %add3A_80, %slice3A_81 : vector<4000x40xf32>
    %mul3A_83 = arith.constant 2.500000e-01 : f32
    %mul3A_84 = vector.broadcast %mul3A_83 : f32 to vector<4000x40xf32>
    %mul3A_85 = arith.mulf %add3A_82, %mul3A_84 : vector<4000x40xf32>
    %get3A_86 = arith.constant 0 : index
    %get3A_87 = arith.constant 0 : index
    %get3A_88 = vector.load %arg10[%get3A_86, %get3A_87] : memref<40x40xf32, #tpu.memory_space<vmem>>, vector<40x40xf32>
    %dot_general3A_89 = arith.constant dense<0.000000e+00> : vector<4000x40xf32>
    %dot_general3A_90 = tpu.matmul %mul3A_85, %get3A_88, %dot_general3A_89 {dimension_numbers = #tpu.dot_dimension_numbers<[1], [0], [0], [1], [0, 0, 1, 1], [], []>, transpose_lhs_hint = false} : vector<4000x40xf32>, vector<40x40xf32>, vector<4000x40xf32> -> vector<4000x40xf32>
    %get3A_91 = arith.constant 0 : index
    %get3A_92 = arith.constant 0 : index
    %get3A_93 = vector.load %arg11[%get3A_91, %get3A_92] : memref<1x40xf32, #tpu.memory_space<vmem>>, vector<1x40xf32>
    %add3A_94 = vector.broadcast %get3A_93 : vector<1x40xf32> to vector<4000x40xf32>
    %add3A_95 = arith.addf %dot_general3A_90, %add3A_94 : vector<4000x40xf32>
    %swap3A = arith.constant 0 : index
    %swap3A_96 = arith.constant 0 : index
    %swap3A_97 = vector.load %arg12[%swap3A, %swap3A_96] : memref<4000x40xf32, #tpu.memory_space<vmem>>, vector<4000x40xf32>
    tpu.vector_store %arg12[%swap3A, %swap3A_96], %add3A_95 {strides = array<i32>} : memref<4000x40xf32, #tpu.memory_space<vmem>>, vector<4000x40xf32>,
    return
  }
  func.func @transform_0(%arg0: i32) -> (i32, i32) {
    %c0_i32 = arith.constant 0 : i32
    %c0_i32_0 = arith.constant 0 : i32
    return %arg0, %c0_i32 : i32, i32
  }
  func.func @transform_1(%arg0: i32) -> (i32, i32) {
    %add3A = arith.constant 0 : i32
    %add3A_0 = arith.addi %add3A, %arg0 : i32
    %c0_i32 = arith.constant 0 : i32
    %c0_i32_1 = arith.constant 0 : i32
    return %add3A_0, %c0_i32 : i32, i32
  }
  func.func @transform_2(%arg0: i32) -> (i32, i32) {
    %add3A = arith.constant 25 : i32
    %add3A_0 = arith.addi %add3A, %arg0 : i32
    %c0_i32 = arith.constant 0 : i32
    %c0_i32_1 = arith.constant 0 : i32
    return %add3A_0, %c0_i32 : i32, i32
  }
  func.func @transform_3(%arg0: i32) -> (i32, i32) {
    %add3A = arith.constant 50 : i32
    %add3A_0 = arith.addi %add3A, %arg0 : i32
    %c0_i32 = arith.constant 0 : i32
    %c0_i32_1 = arith.constant 0 : i32
    return %add3A_0, %c0_i32 : i32, i32
  }
  func.func @transform_4(%arg0: i32) -> (i32, i32) {
    %add3A = arith.constant 75 : i32
    %add3A_0 = arith.addi %add3A, %arg0 : i32
    %c0_i32 = arith.constant 0 : i32
    %c0_i32_1 = arith.constant 0 : i32
    return %add3A_0, %c0_i32 : i32, i32
  }
  func.func @transform_5(%arg0: i32) -> (i32, i32) {
    %c0_i32 = arith.constant 0 : i32
    %c0_i32_0 = arith.constant 0 : i32
    %c0_i32_1 = arith.constant 0 : i32
    return %c0_i32, %c0_i32_0 : i32, i32
  }
  func.func @transform_6(%arg0: i32) -> (i32, i32) {
    %c0_i32 = arith.constant 0 : i32
    %c0_i32_0 = arith.constant 0 : i32
    %c0_i32_1 = arith.constant 0 : i32
    return %c0_i32, %c0_i32_0 : i32, i32
  }
  func.func @transform_7(%arg0: i32) -> (i32, i32) {
    %c0_i32 = arith.constant 0 : i32
    %c0_i32_0 = arith.constant 0 : i32
    %c0_i32_1 = arith.constant 0 : i32
    return %c0_i32, %c0_i32_0 : i32, i32
  }
  func.func @transform_8(%arg0: i32) -> (i32, i32) {
    %c0_i32 = arith.constant 0 : i32
    %c0_i32_0 = arith.constant 0 : i32
    %c0_i32_1 = arith.constant 0 : i32
    return %c0_i32, %c0_i32_0 : i32, i32
  }
  func.func @transform_9(%arg0: i32) -> (i32, i32) {
    %c0_i32 = arith.constant 0 : i32
    %c0_i32_0 = arith.constant 0 : i32
    %c0_i32_1 = arith.constant 0 : i32
    return %c0_i32, %c0_i32_0 : i32, i32
  }
  func.func @transform_10(%arg0: i32) -> (i32, i32) {
    %c0_i32 = arith.constant 0 : i32
    %c0_i32_0 = arith.constant 0 : i32
    %c0_i32_1 = arith.constant 0 : i32
    return %c0_i32, %c0_i32_0 : i32, i32
  }
  func.func @transform_11(%arg0: i32) -> (i32, i32) {
    %c0_i32 = arith.constant 0 : i32
    %c0_i32_0 = arith.constant 0 : i32
    return %arg0, %c0_i32 : i32, i32
  }
}

</mosaic_0001>

<sc_bundles>
// kernel: kernel.6.cloned.1.call-start
scs
__scs_entry_jumppad:
0x0: {  	(pc) =	sbr.rel $0x88, $3  }
0x1: {  	(tag) =	ssettag $0x0;
	lr =	simm.s32 $0x1  }
0x2: {  	[smem:$0x3F9C] =	sst lr;
	_ =	strace $0xD0000000  }
0x3: {  	_ = 	snop  }
0x4: {  	_ = 	snop  }
0x5: {  	_ = 	snop  }
0x6: {  	_ = 	snop  }
0x7: {  	_ = 	snop  }
__scs_overlays_trampoline_lowered:
0x8: {  	[smem:$0x3FAB] =	sst s0  }
0x9: {  	[smem:$0x3FAC] =	sst s1  }
0xa: {  	[smem:$0x3FAD] =	sst s2  }
0xb: {  	[smem:$0x3FAE] =	sst s3  }
0xc: {  	[smem:$0x3FAF] =	sst s4  }
0xd: {  	[smem:$0x3FB0] =	sst s5  }
0xe: {  	[smem:$0x3FB1] =	sst s6  }
0xf: {  	[smem:$0x3FB2] =	sst s7  }
0x10: {  	[smem:$0x3FB3] =	sst s8  }
0x11: {  	[smem:$0x3FB4] =	sst s9;
	s0 =	simm.s32 @!p0 $0x0  }
0x12: {  	s1 =	sld [smem:$0x3F9A];
	s0 =	simm.s32 @p0 $0x1  }
0x13: {  	[smem:$0x3FB5] =	sst s0;
	s0 =	simm.s32 @!p1 $0x0  }
0x14: {  	s2 =	sld [smem:$0x3F99];
	s0 =	simm.s32 @p1 $0x1  }
0x15: {  	[smem:$0x3FB6] =	sst s0;
	s0 =	simm.s32 @!p2 $0x0  }
0x16: {  	s3 =	sld [smem:$0x3FDB];
	s0 =	simm.s32 @p2 $0x1  }
0x17: {  	s4 =	simm.s32 $0x1BF5;
	[smem:$0x3FB8] =	sst s0  }
0x18: {  	s0 =	sld [smem:$0x3F9B];
	_ =	swait.ge [sflag:s4], $0x0  }
0x19: {  	s7 =	sld [smem:$0x3F9C]  }
0x1a: {  	s8 =	sadd.s32 $0xFFFFE003, lr  }
0x1b: {  	s9 =	sadd.s32 $0xFFFFFEF7, lr;
	s5 =	simm.s32 $0xFFFFFFFF;
	p2 =	slt.u32 s8, $0xFFFFF086  }
0x1c: {  	p1 =	slt.u32 s9, $0xF7A;
	s5 =	simm.s32 @!p2 $0x0  }
0x1d: {  	s5 =	simm.s32 @p1 $0x1;
	p0 =	seq.s32 s7, s2  }
0x1e: {  	s7 =	smul.u32 @!p0 $0xF7A, s2;
	p2 =	seq.s32 @!p0 s5, $0x0  }
0x1f: {  	s9 =	smul.u32 $0xF7A, s1;
	s8 =	simm.s32 @!p0 $0x1BF5;
	p2 =	por !p2, p0  }
0x20: {  	[sflag:s8] =	ssyncset.s32 @!p0 $0xFFFFF086;
	s6 =	sadd.s32 @!p0 s3, s7;
	s7 =	simm.s32 @!p0 $0x108  }
0x21: {  	s3 =	sadd.s32 s3, s9;
	s6 =	sadd.s32 @!p0 $0x88, s6;
	s7 =	simm.s32 @p2 $0x1082  }
0x22: {  	[simem:s7], [sflag:s8] =	dma.local @!p0 [hbm:s6], $0xF7A  }
0x23: {  	s9 =	sor.u32 $0xD0000000, s2;
	s6 =	simm.s32 $0x108;
	_ =	swait.ge @!p0 [sflag:s8], $0x0  }
0x24: {  	s3 =	sadd.s32 $0x88, s3;
	s6 =	simm.s32 @!p1 $0x1082;
	[sflag:s4] =	ssyncset.s32 $0xFFFFF086  }
0x25: {  	[simem:s6], [sflag:s4] =	dma.local [hbm:s3], $0xF7A  }
0x26: {  	[smem:$0x3F9C] =	sst s1;
	(tag) =	ssettag s2;
	_ =	strace s9  }
0x27: {  	s1 =	sld [smem:$0x3FAC]  }
0x28: {  	s2 =	sld [smem:$0x3FAD]  }
0x29: {  	s4 =	sld [smem:$0x3FAF]  }
0x2a: {  	p0 =	seq.s32 s5, $0x0;
	s5 =	sld [smem:$0x3FB0]  }
0x2b: {  	s6 =	sld [smem:$0x3FB1]  }
0x2c: {  	s7 =	sld [smem:$0x3FB2]  }
0x2d: {  	s3 =	simm.s32 $0x108;
	s8 =	sld [smem:$0x3FB3]  }
0x2e: {  	s3 =	simm.s32 @!p0 $0x1082;
	s9 =	sld [smem:$0x3FB4]  }
0x2f: {  	lr =	sadd.s32 s0, s3;
	s0 =	sld [smem:$0x3FAB]  }
0x30: {  	s3 =	sld [smem:$0x3FAE]  }
0x31: {  	[smem:$0x3FB7] =	sst s10  }
0x32: {  	s10 =	sld [smem:$0x3FB5];
	_ =	sdelay $0x3  }
0x33: {  	p0 =	seq.s32 s10, $0x1;
	s10 =	sld [smem:$0x3FB7];
	_ =	sdelay $0x3  }
0x34: {  	[smem:$0x3FB7] =	sst s10  }
0x35: {  	s10 =	sld [smem:$0x3FB6];
	_ =	sdelay $0x3  }
0x36: {  	p1 =	seq.s32 s10, $0x1;
	s10 =	sld [smem:$0x3FB7];
	_ =	sdelay $0x3  }
0x37: {  	[smem:$0x3FB7] =	sst s10  }
0x38: {  	s10 =	sld [smem:$0x3FB8]  }
0x39: {  	_ = 	snop;
	(pc) =	sbr.ind lr, $3  }
0x3a: {  	_ = 	snop  }
0x3b: {  	_ = 	snop  }
0x3c: {  	p2 =	seq.s32 s10, $0x1;
	s10 =	sld [smem:$0x3FB7]  }
0x3d: {  	_ =	shalt  }
0x3e: {  	_ =	shalt  }
0x3f: {  	_ =	shalt  }
0x40: {  	_ =	shalt  }
0x41: {  	_ =	shalt  }
0x42: {  	_ =	shalt  }
0x43: {  	_ =	shalt  }
0x44: {  	_ =	shalt  }
0x45: {  	_ =	shalt  }
0x46: {  	_ =	shalt  }
0x47: {  	_ =	shalt  }
0x48: {  	_ =	shalt  }
0x49: {  	_ =	shalt  }
0x4a: {  	_ =	shalt  }
0x4b: {  	_ =	shalt  }
0x4c: {  	_ =	shalt  }
0x4d: {  	_ =	shalt  }
0x4e: {  	_ =	shalt  }
0x4f: {  	_ =	shalt  }
0x50: {  	_ =	shalt  }
0x51: {  	_ =	shalt  }
0x52: {  	_ =	shalt  }
0x53: {  	_ =	shalt  }
0x54: {  	_ =	shalt  }
0x55: {  	_ =	shalt  }
0x56: {  	_ =	shalt  }
0x57: {  	_ =	shalt  }
0x58: {  	_ =	shalt  }
0x59: {  	_ =	shalt  }
0x5a: {  	_ =	shalt  }
0x5b: {  	_ =	shalt  }
0x5c: {  	_ =	shalt  }
0x5d: {  	_ =	shalt  }
0x5e: {  	_ =	shalt  }
0x5f: {  	_ =	shalt  }
0x60: {  	_ =	shalt  }
0x61: {  	_ =	shalt  }
0x62: {  	_ =	shalt  }
0x63: {  	_ =	shalt  }
0x64: {  	_ =	shalt  }
0x65: {  	_ =	shalt  }
0x66: {  	_ =	shalt  }
0x67: {  	_ =	shalt  }
0x68: {  	_ =	shalt  }
0x69: {  	_ =	shalt  }
0x6a: {  	_ =	shalt  }
0x6b: {  	_ =	shalt  }
0x6c: {  	_ =	shalt  }
0x6d: {  	_ =	shalt  }
0x6e: {  	_ =	shalt  }
0x6f: {  	_ =	shalt  }
0x70: {  	_ =	shalt  }
0x71: {  	_ =	shalt  }
0x72: {  	_ =	shalt  }
0x73: {  	_ =	shalt  }
0x74: {  	_ =	shalt  }
0x75: {  	_ =	shalt  }
0x76: {  	_ =	shalt  }
0x77: {  	_ =	shalt  }
0x78: {  	_ =	shalt  }
0x79: {  	_ =	shalt  }
0x7a: {  	_ =	shalt  }
0x7b: {  	_ =	shalt  }
0x7c: {  	_ =	shalt  }
0x7d: {  	_ =	shalt  }
0x7e: {  	_ =	shalt  }
0x7f: {  	_ =	shalt  }
0x80: {  	_ =	shalt  }
0x81: {  	_ =	shalt  }
0x82: {  	_ =	shalt  }
0x83: {  	_ =	shalt  }
0x84: {  	_ =	shalt  }
0x85: {  	_ =	shalt  }
0x86: {  	_ =	shalt  }
0x87: {  	_ =	shalt  }
.Lfunc_end0:
.L_simem_size_0:
called_computation_lowered:
.L_overlay_start_0:
0x88: {  	s2 =	sld [smem:$0x3FD9]  }
0x89: {  	s3 =	sld [smem:$0x3FFE];
	_ =	sdelay $0x1  }
0x8a: {  	s1 =	srdreg.scid  }
0x8b: {  	s0 =	sand.u32 $0x1, s1  }
0x8c: {  	s17 =	sshll.u32 s0, $0xA;
	s2 =	sadd.s32 s3, s2  }
0x8d: {  	s2 =	sadd.s32 s2, s17  }
0x8e: {  	[smem:$0x3FC3] =	sst s2  }
0x8f: {  	_ = 	snop  }
0x90: {  	s2 =	sld [smem:$0x3FD0];
	(tm) =	ssettm $0x1  }
0x91: {  	s18 =	sld [smem:$0x3FFB];
	_ =	sdelay $0x3  }
0x92: {  	_ =	strace s18  }
0x93: {  	s3 =	sld [smem:$0x3FFC];
	_ =	sdelay $0x3  }
0x94: {  	_ =	strace s3  }
0x95: {  	s3 =	sld [smem:$0x3FFD];
	_ =	sdelay $0x3  }
0x96: {  	_ =	strace s3  }
0x97: {  	_ =	strace $0x8FFFFFFF  }
0x98: {  	s19 =	sld [smem:$0x3FDB];
	_ =	sdelay $0x1  }
0x99: {  	s4 =	simm.s32 $_scs_section_size  }
0x9a: {  	s5 =	simm.s32 $_size__tile_overlayer_lowered;
	s6 =	simm.s32 $_tile_overlayer_lowered  }
0x9b: {  	s22 =	simm.s32 $0x1BFF;
	s21 =	sshll.u32 s6, $0x1;
	s3 =	sadd.s32 s4, s19  }
0x9c: {  	s7 =	simm.s32 $0x0;
	s20 =	sshll.u32 s5, $0x1;
	s5 =	sadd.s32 s21, s3  }
0x9d: {  	[timem:s7], [sflag:s22] =	dma.local [hbm:s5], s20  }
0x9e: {  	_ =	swait.ge [sflag:s22], s20  }
0x9f: {  	s4 =	ssub.s32 $0x0, s20;
	[sflag:s22] =	ssyncset.done $0x0  }
0xa0: {  	[sflag:s22] =	ssyncadd.s32 s4;
	_ =	sdelay $0x1  }
0xa1: {  	s23 =	simm.s32 $0x1B8B  }
0xa2: {  	_ =	swait.ge [sflag:s23], $0x1  }
0xa3: {  	[sflag:s23] =	ssyncset.done $0x0  }
0xa4: {  	s25 =	simm.s32 $0x1B8E;
	s24 =	sld [smem:$0x3FFE];
	[sflag:s23] =	ssyncadd.s32 $0xFFFFFFFF  }
0xa5: {  	s26 =	simm.s32 $execute0_lowered;
	[smem:$0x3FD2] =	sst s25  }
0xa6: {  	s5 =	sshll.u32 s26, $0x1;
	_ =	strace $0x80000046;
	[dreg:$0x1] =	wrdreg $0xFFFFFFFF  }
0xa7: {  	s28 =	simm.s32 $_size_execute0_lowered;
	s3 =	sadd.s32 s3, s5;
	[dreg:$0x0] =	wrdreg $0x0  }
0xa8: {  	s5 =	sshll.u32 s28, $0x1;
	[dreg:$0x2] =	wrdreg s3  }
0xa9: {  	[dreg:$0x3] =	wrdreg s5  }
0xaa: {  	[dreg:$0x4] =	wrdreg $0xC0  }
0xab: {  	_ =	task [dreg:s7], $0x5FFFF  }
0xac: {  	[dreg:$0x1] =	wrdreg $0xFFFFFFFF  }
0xad: {  	[dreg:$0x0] =	wrdreg $0x60  }
0xae: {  	[dreg:$0x2] =	wrdreg s24  }
0xaf: {  	[dreg:$0x3] =	wrdreg s2  }
0xb0: {  	[dreg:$0x4] =	wrdreg $0x9  }
0xb1: {  	_ =	task.clear_ibuf [dreg:s7], $0x5FFFF;
	_ =	strace $0x90000046  }
0xb2: {  	s29 =	simm.s32 $0x9;
	_ =	strace $0x80000048  }
0xb3: {  	_ =	swait.ge [sflag:s29], $0x1  }
0xb4: {  	[sflag:s29] =	ssyncadd.s32 $0xFFFFFFFF  }
0xb5: {  	_ =	strace $0x90000048  }
0xb6: {  	_ =	sfence  }
0xb7: {  	s30 =	sld [smem:$0x0];
	_ =	sdelay $0x2  }
0xb8: {  	s31 =	sshll.u32 s1, $0xD;
	s1 =	sshrl.u32 s1, $0x2  }
0xb9: {  	s3 =	sand.u32 $0x4000, s31;
	s1 =	sadd.s32 s1, s30  }
0xba: {  	s0 =	sor.u32 s3, s0;
	s1 =	sshll.u32 s1, $0x11  }
0xbb: {  	s0 =	sor.u32 s1, s0  }
0xbc: {  	s0 =	sadd.s32 $0x8F2B, s0  }
0xbd: {  	[sflag:s0] =	ssyncadd.remote.s32 $0x1  }
0xbe: {  	_ =	sfence.sel $0xFFFF  }
0xbf: {  	[dreg:$0x0] =	wrdreg $0xFFFFFFFF;
	(pc) =	sbr.abs _section_cstart, $3  }
0xc0: {  	[dreg:$0x1] =	wrdreg $0xFFFFFFFF  }
0xc1: {  	_ =	task.clear_ibuf [dreg:s7], $0x2FFFF;
	_ =	strace $0x9FFFFFFF  }
0xc2: {  	(tm) =	ssettm $0x7FFFFFFF  }
0xc3: {  	_ =	shalt  }
tec
execute0_lowered:
.L_overlay_start_1:
0x0: {  	(tag) =	ssettag $0x1  }
0x1: {  	s1 =	srdreg.scid  }
0x2: {  	s0 =	stileid.u32;
	s4 =	rddreg [dreg:$0x0]  }
0x3: {  	s6 =	rddreg [dreg:$0x1];
	s11 =	simm.s32 $0x81A8;
	s12 =	simm.s32 $0xA1A8  }
0x4: {  	s13 =	simm.s32 $0xC1A8;
	s31 =	simm.s32 $0xE1A8;
	s14 =	simm.s32 $0x101A8  }
0x5: {  	s15 =	simm.s32 $0x121A8;
	s16 =	simm.s32 $0x141A8;
	s17 =	simm.s32 $0x161A8  }
0x6: {  	s18 =	simm.s32 $0x181A8;
	s19 =	simm.s32 $0x1A1A8;
	s20 =	simm.s32 $0x1C1A8  }
0x7: {  	s21 =	simm.s32 $0x1;
	s23 =	simm.s32 $0x6080;
	s24 =	simm.s32 $0x6100  }
0x8: {  	s25 =	simm.s32 $0x28;
	s26 =	simm.s32 $0x6180;
	s28 =	simm.s32 $0x0  }
0x9: {  	s1 =	sand.u32 $0x1, s1;
	s2 =	sshll.u32 s0, $0x1;
	s10 =	sadd.s32 $0x257C00, s4  }
0xa: {  	p0 =	slt.u32 s0, $0x8;
	s30 =	smul.u32 $0x61A80, s0;
	s5 =	sor.u32 s1, s2  }
0xb: {  	s2 =	simm.s32 $0x0;
	s9 =	ssub.s32 $0x2, s1;
	s1 =	smul.u32 $0x30D40, s1  }
0xc: {  	s7 =	smul.u32 $0x61A8, s5;
	[smem:$0x7FF] =	sst s2;
	s29 =	sshrl.u32 s9, $0x1  }
0xd: {  	s5 =	smul.u32 $0x186A00, s5;
	_ =	strace $0x80000047;
	s9 =	ssub.s32 s9, s29  }
0xe: {  	[dreg:$0x3] =	wrdreg s31;
	s3 =	sadd.s32 $0xFFF9E580, s7;
	s7 =	sshrl.u32 s7, $0x3  }
0xf: {  	s5 =	sshrl.u32 s5, $0x3;
	s8 =	sshrl.u32 s3, $0x3;
	s3 =	sadd.s32 $0x194600, s4  }
0x10: {  	s7 =	sadd.s32 s6, s7;
	s5 =	sadd.s32 s10, s5;
	s6 =	smax.u32 s9, $0x1  }
0x11: {  	s9 =	simm.s32 $0x80;
	s8 =	sadd.s32 s8, s4;
	s5 =	sadd.s32 $0x30000, s5  }
0x12: {  	s4 =	sadd.s32 $0x1800, s8;
	s8 =	sadd.s32 s30, s10;
	s10 =	simm.s32 $0x61A8  }
0x13: {  	s4 =	smov.u32 @p0 s7;
	s7 =	sadd.s32 s1, s8;
	s8 =	simm.s32 $0x2  }
.LBB2_1:
0x14: {  	[tilespmem:s2], [sflag:$0x2] =	stream.linear.gather [hbm4b:s4+s2], $0x61A8, $0x38;
	[tilespmem:$0x1E1A8] =	vst v63  }
0x15: {  	_ =	swait.ge [sflag:s8], $0x61A8  }
0x16: {  	[sflag:s8] =	ssyncset.done $0x0  }
0x17: {  	s1 =	simm.s32 $0x0;
	[sflag:s8] =	ssyncadd.s32 $0xFFFF9E58  }
0x18: {  	[tilespmem:s10], [sflag:$0x1] =	stream.indirect.gather [hbm4b:s3+s9], $0x40, s1, s9, $0xb8;
	[tilespmem:$0x1E1A8] =	vst v63  }
0x19: {  	s22 =	simm.s32 $0x80  }
0x1a: {  	[tilespmem:s11], [sflag:$0x1] =	stream.indirect.gather [hbm4b:s3+s9], $0x40, s22, s9, $0xb8;
	[tilespmem:$0x1E1A8] =	vst v63  }
0x1b: {  	s0 =	simm.s32 $0x100  }
0x1c: {  	[tilespmem:s12], [sflag:$0x1] =	stream.indirect.gather [hbm4b:s3+s9], $0x40, s0, s9, $0xb8;
	[tilespmem:$0x1E1A8] =	vst v63  }
0x1d: {  	s22 =	simm.s32 $0x180  }
0x1e: {  	[tilespmem:s13], [sflag:$0x1] =	stream.indirect.gather [hbm4b:s3+s9], $0x40, s22, s9, $0xb8;
	[tilespmem:$0x1E1A8] =	vst v63  }
0x1f: {  	s29 =	rddreg [dreg:$0x3];
	s0 =	simm.s32 $0x200  }
0x20: {  	[tilespmem:s29], [sflag:$0x1] =	stream.indirect.gather [hbm4b:s3+s9], $0x40, s0, s9, $0xb8;
	[tilespmem:$0x1E1A8] =	vst v63  }
0x21: {  	s22 =	simm.s32 $0x280  }
0x22: {  	[tilespmem:s14], [sflag:$0x1] =	stream.indirect.gather [hbm4b:s3+s9], $0x40, s22, s9, $0xb8;
	[tilespmem:$0x1E1A8] =	vst v63  }
0x23: {  	s0 =	simm.s32 $0x300  }
0x24: {  	[tilespmem:s15], [sflag:$0x1] =	stream.indirect.gather [hbm4b:s3+s9], $0x40, s0, s9, $0xb8;
	[tilespmem:$0x1E1A8] =	vst v63  }
0x25: {  	s22 =	simm.s32 $0x380  }
0x26: {  	[tilespmem:s16], [sflag:$0x1] =	stream.indirect.gather [hbm4b:s3+s9], $0x40, s22, s9, $0xb8;
	[tilespmem:$0x1E1A8] =	vst v63  }
0x27: {  	s0 =	simm.s32 $0x400  }
0x28: {  	[tilespmem:s17], [sflag:$0x1] =	stream.indirect.gather [hbm4b:s3+s9], $0x40, s0, s9, $0xb8;
	[tilespmem:$0x1E1A8] =	vst v63  }
0x29: {  	s22 =	simm.s32 $0x480  }
0x2a: {  	[tilespmem:s18], [sflag:$0x1] =	stream.indirect.gather [hbm4b:s3+s9], $0x40, s22, s9, $0xb8;
	[tilespmem:$0x1E1A8] =	vst v63  }
0x2b: {  	s0 =	simm.s32 $0x500  }
0x2c: {  	[tilespmem:s19], [sflag:$0x1] =	stream.indirect.gather [hbm4b:s3+s9], $0x40, s0, s9, $0xb8;
	[tilespmem:$0x1E1A8] =	vst v63  }
0x2d: {  	s22 =	simm.s32 $0x580  }
0x2e: {  	[tilespmem:s20], [sflag:$0x1] =	stream.indirect.gather [hbm4b:s3+s9], $0x40, s22, s9, $0xb8;
	[tilespmem:$0x1E1A8] =	vst v63  }
0x2f: {  	_ =	swait.ge [sflag:s21], $0x2000  }
0x30: {  	[sflag:s21] =	ssyncset.done $0x0  }
0x31: {  	[sflag:s21] =	ssyncadd.s32 $0xFFFFE000  }
0x32: {  	_ =	swait.ge [sflag:s21], $0x2000  }
0x33: {  	[sflag:s21] =	ssyncset.done $0x0  }
0x34: {  	[sflag:s21] =	ssyncadd.s32 $0xFFFFE000  }
0x35: {  	_ =	swait.ge [sflag:s21], $0x2000  }
0x36: {  	[sflag:s21] =	ssyncset.done $0x0  }
0x37: {  	[sflag:s21] =	ssyncadd.s32 $0xFFFFE000  }
0x38: {  	_ =	swait.ge [sflag:s21], $0x2000  }
0x39: {  	[sflag:s21] =	ssyncset.done $0x0  }
0x3a: {  	[sflag:s21] =	ssyncadd.s32 $0xFFFFE000  }
0x3b: {  	_ =	swait.ge [sflag:s21], $0x2000  }
0x3c: {  	[sflag:s21] =	ssyncset.done $0x0  }
0x3d: {  	[sflag:s21] =	ssyncadd.s32 $0xFFFFE000  }
0x3e: {  	_ =	swait.ge [sflag:s21], $0x2000  }
0x3f: {  	[sflag:s21] =	ssyncset.done $0x0  }
0x40: {  	[sflag:s21] =	ssyncadd.s32 $0xFFFFE000  }
0x41: {  	_ =	swait.ge [sflag:s21], $0x2000  }
0x42: {  	[sflag:s21] =	ssyncset.done $0x0  }
0x43: {  	[sflag:s21] =	ssyncadd.s32 $0xFFFFE000  }
0x44: {  	_ =	swait.ge [sflag:s21], $0x2000  }
0x45: {  	[sflag:s21] =	ssyncset.done $0x0  }
0x46: {  	[sflag:s21] =	ssyncadd.s32 $0xFFFFE000  }
0x47: {  	_ =	swait.ge [sflag:s21], $0x2000  }
0x48: {  	[sflag:s21] =	ssyncset.done $0x0  }
0x49: {  	[sflag:s21] =	ssyncadd.s32 $0xFFFFE000  }
0x4a: {  	_ =	swait.ge [sflag:s21], $0x2000  }
0x4b: {  	[sflag:s21] =	ssyncset.done $0x0  }
0x4c: {  	[sflag:s21] =	ssyncadd.s32 $0xFFFFE000  }
0x4d: {  	_ =	swait.ge [sflag:s21], $0x2000  }
0x4e: {  	[sflag:s21] =	ssyncset.done $0x0  }
0x4f: {  	[sflag:s21] =	ssyncadd.s32 $0xFFFFE000  }
0x50: {  	_ =	swait.ge [sflag:s21], $0x2000  }
0x51: {  	[sflag:s21] =	ssyncset.done $0x0  }
0x52: {  	[sflag:s21] =	ssyncadd.s32 $0xFFFFE000  }
0x53: {  	[hbm4b:s7+s2] =	stream.linear.scatter [tilespmem:s10], [sflag:$0x2], $0x18000, $0x38;
	[tilespmem:$0x1E1A8] =	vst v63  }
0x54: {  	s30 =	simm.s32 $0x1800;
	_ =	swait.ge [sflag:s8], $0x18000  }
0x55: {  	s31 =	simm.s32 $0x3000;
	s29 =	sadd.s32 $0x3000, s7;
	[sflag:s8] =	ssyncset.done $0x0  }
.LBB2_2:
0x56: {  	s0 =	sshra.s32 s30, $0x2;
	[sflag:s8] =	ssyncadd.s32 $0xFFFE8000;
	s30 =	smov.u32 s31  }
0x57: {  	[tilespmem:s10], [sflag:$0x1] =	stream.indirect.gather [hbm4b:s3+s9], $0x40, s0, s9, $0xb8;
	[tilespmem:$0x1E1A8] =	vst v63  }
0x58: {  	s1 =	sadd.s32 $0x1800, s31;
	p0 =	sne.s32 s31, $0x16800;
	s31 =	sadd.s32 $0x80, s0  }
0x59: {  	[tilespmem:s11], [sflag:$0x1] =	stream.indirect.gather [hbm4b:s3+s9], $0x40, s31, s9, $0xb8;
	[tilespmem:$0x1E1A8] =	vst v63  }
0x5a: {  	s31 =	sadd.s32 $0x100, s0  }
0x5b: {  	[tilespmem:s12], [sflag:$0x1] =	stream.indirect.gather [hbm4b:s3+s9], $0x40, s31, s9, $0xb8;
	[tilespmem:$0x1E1A8] =	vst v63  }
0x5c: {  	s31 =	sadd.s32 $0x180, s0  }
0x5d: {  	[tilespmem:s13], [sflag:$0x1] =	stream.indirect.gather [hbm4b:s3+s9], $0x40, s31, s9, $0xb8;
	[tilespmem:$0x1E1A8] =	vst v63  }
0x5e: {  	s22 =	rddreg [dreg:$0x3];
	s31 =	sadd.s32 $0x200, s0  }
0x5f: {  	[tilespmem:s22], [sflag:$0x1] =	stream.indirect.gather [hbm4b:s3+s9], $0x40, s31, s9, $0xb8;
	[tilespmem:$0x1E1A8] =	vst v63  }
0x60: {  	s22 =	sadd.s32 $0x280, s0  }
0x61: {  	[tilespmem:s14], [sflag:$0x1] =	stream.indirect.gather [hbm4b:s3+s9], $0x40, s22, s9, $0xb8;
	[tilespmem:$0x1E1A8] =	vst v63  }
0x62: {  	s22 =	sadd.s32 $0x300, s0  }
0x63: {  	[tilespmem:s15], [sflag:$0x1] =	stream.indirect.gather [hbm4b:s3+s9], $0x40, s22, s9, $0xb8;
	[tilespmem:$0x1E1A8] =	vst v63  }
0x64: {  	s22 =	sadd.s32 $0x380, s0  }
0x65: {  	[tilespmem:s16], [sflag:$0x1] =	stream.indirect.gather [hbm4b:s3+s9], $0x40, s22, s9, $0xb8;
	[tilespmem:$0x1E1A8] =	vst v63  }
0x66: {  	s22 =	sadd.s32 $0x400, s0  }
0x67: {  	[tilespmem:s17], [sflag:$0x1] =	stream.indirect.gather [hbm4b:s3+s9], $0x40, s22, s9, $0xb8;
	[tilespmem:$0x1E1A8] =	vst v63  }
0x68: {  	s22 =	sadd.s32 $0x480, s0  }
0x69: {  	[tilespmem:s18], [sflag:$0x1] =	stream.indirect.gather [hbm4b:s3+s9], $0x40, s22, s9, $0xb8;
	[tilespmem:$0x1E1A8] =	vst v63  }
0x6a: {  	s22 =	sadd.s32 $0x500, s0  }
0x6b: {  	[tilespmem:s19], [sflag:$0x1] =	stream.indirect.gather [hbm4b:s3+s9], $0x40, s22, s9, $0xb8;
	[tilespmem:$0x1E1A8] =	vst v63  }
0x6c: {  	s0 =	sadd.s32 $0x580, s0  }
0x6d: {  	[tilespmem:s20], [sflag:$0x1] =	stream.indirect.gather [hbm4b:s3+s9], $0x40, s0, s9, $0xb8;
	[tilespmem:$0x1E1A8] =	vst v63  }
0x6e: {  	_ =	swait.ge [sflag:s21], $0x2000  }
0x6f: {  	[sflag:s21] =	ssyncset.done $0x0  }
0x70: {  	[sflag:s21] =	ssyncadd.s32 $0xFFFFE000  }
0x71: {  	_ =	swait.ge [sflag:s21], $0x2000  }
0x72: {  	[sflag:s21] =	ssyncset.done $0x0  }
0x73: {  	[sflag:s21] =	ssyncadd.s32 $0xFFFFE000  }
0x74: {  	_ =	swait.ge [sflag:s21], $0x2000  }
0x75: {  	[sflag:s21] =	ssyncset.done $0x0  }
0x76: {  	[sflag:s21] =	ssyncadd.s32 $0xFFFFE000  }
0x77: {  	_ =	swait.ge [sflag:s21], $0x2000  }
0x78: {  	[sflag:s21] =	ssyncset.done $0x0  }
0x79: {  	[sflag:s21] =	ssyncadd.s32 $0xFFFFE000  }
0x7a: {  	_ =	swait.ge [sflag:s21], $0x2000  }
0x7b: {  	[sflag:s21] =	ssyncset.done $0x0  }
0x7c: {  	[sflag:s21] =	ssyncadd.s32 $0xFFFFE000  }
0x7d: {  	_ =	swait.ge [sflag:s21], $0x2000  }
0x7e: {  	[sflag:s21] =	ssyncset.done $0x0  }
0x7f: {  	[sflag:s21] =	ssyncadd.s32 $0xFFFFE000  }
0x80: {  	_ =	swait.ge [sflag:s21], $0x2000  }
0x81: {  	[sflag:s21] =	ssyncset.done $0x0  }
0x82: {  	[sflag:s21] =	ssyncadd.s32 $0xFFFFE000  }
0x83: {  	_ =	swait.ge [sflag:s21], $0x2000  }
0x84: {  	[sflag:s21] =	ssyncset.done $0x0  }
0x85: {  	[sflag:s21] =	ssyncadd.s32 $0xFFFFE000  }
0x86: {  	_ =	swait.ge [sflag:s21], $0x2000  }
0x87: {  	[sflag:s21] =	ssyncset.done $0x0  }
0x88: {  	[sflag:s21] =	ssyncadd.s32 $0xFFFFE000  }
0x89: {  	_ =	swait.ge [sflag:s21], $0x2000  }
0x8a: {  	[sflag:s21] =	ssyncset.done $0x0  }
0x8b: {  	[sflag:s21] =	ssyncadd.s32 $0xFFFFE000  }
0x8c: {  	_ =	swait.ge [sflag:s21], $0x2000  }
0x8d: {  	[sflag:s21] =	ssyncset.done $0x0  }
0x8e: {  	[sflag:s21] =	ssyncadd.s32 $0xFFFFE000  }
0x8f: {  	_ =	swait.ge [sflag:s21], $0x2000  }
.Ltmp0:
0x90: {  	[sflag:s21] =	ssyncset.done $0x0;
	(pc) =	sbr.rel @p0 .LBB2_2-.Ltmp0, $4  }
0x91: {  	[sflag:s21] =	ssyncadd.s32 $0xFFFFE000  }
0x92: {  	[hbm4b:s29+s2] =	stream.linear.scatter [tilespmem:s10], [sflag:$0x2], $0x18000, $0x38;
	[tilespmem:$0x1E1A8] =	vst v63  }
0x93: {  	_ =	swait.ge [sflag:s8], $0x18000  }
0x94: {  	s31 =	smov.u32 s1;
	s29 =	sadd.s32 $0x3000, s29;
	[sflag:s8] =	ssyncset.done $0x0  }
0x95: {  	s0 =	sshra.s32 s30, $0x2;
	[sflag:s8] =	ssyncadd.s32 $0xFFFE8000  }
0x96: {  	[tilespmem:s10], [sflag:$0x1] =	stream.indirect.gather [hbm4b:s3+s9], $0x40, s0, s9, $0xb8;
	[tilespmem:$0x1E1A8] =	vst v63  }
0x97: {  	s1 =	sadd.s32 $0x80, s0  }
0x98: {  	[tilespmem:s11], [sflag:$0x1] =	stream.indirect.gather [hbm4b:s3+s9], $0x40, s1, s9, $0xb8;
	[tilespmem:$0x1E1A8] =	vst v63  }
0x99: {  	s30 =	sadd.s32 $0x100, s0  }
0x9a: {  	[tilespmem:s12], [sflag:$0x1] =	stream.indirect.gather [hbm4b:s3+s9], $0x40, s30, s9, $0xb8;
	[tilespmem:$0x1E1A8] =	vst v63  }
0x9b: {  	s31 =	sadd.s32 $0x180, s0  }
0x9c: {  	[tilespmem:s13], [sflag:$0x1] =	stream.indirect.gather [hbm4b:s3+s9], $0x40, s31, s9, $0xb8;
	[tilespmem:$0x1E1A8] =	vst v63  }
0x9d: {  	s22 =	rddreg [dreg:$0x3];
	s30 =	sadd.s32 $0x200, s0  }
0x9e: {  	[tilespmem:s22], [sflag:$0x1] =	stream.indirect.gather [hbm4b:s3+s9], $0x40, s30, s9, $0xb8;
	[tilespmem:$0x1E1A8] =	vst v63  }
0x9f: {  	s31 =	sadd.s32 $0x280, s0  }
0xa0: {  	[tilespmem:s14], [sflag:$0x1] =	stream.indirect.gather [hbm4b:s3+s9], $0x40, s31, s9, $0xb8;
	[tilespmem:$0x1E1A8] =	vst v63  }
0xa1: {  	s22 =	sadd.s32 $0x300, s0  }
0xa2: {  	[tilespmem:s15], [sflag:$0x1] =	stream.indirect.gather [hbm4b:s3+s9], $0x40, s22, s9, $0xb8;
	[tilespmem:$0x1E1A8] =	vst v63  }
0xa3: {  	s30 =	sadd.s32 $0x380, s0  }
0xa4: {  	[tilespmem:s16], [sflag:$0x1] =	stream.indirect.gather [hbm4b:s3+s9], $0x40, s30, s9, $0xb8;
	[tilespmem:$0x1E1A8] =	vst v63  }
0xa5: {  	s31 =	sadd.s32 $0x400, s0  }
0xa6: {  	[tilespmem:s17], [sflag:$0x1] =	stream.indirect.gather [hbm4b:s3+s9], $0x40, s31, s9, $0xb8;
	[tilespmem:$0x1E1A8] =	vst v63  }
0xa7: {  	s22 =	sadd.s32 $0x480, s0  }
0xa8: {  	[tilespmem:s18], [sflag:$0x1] =	stream.indirect.gather [hbm4b:s3+s9], $0x40, s22, s9, $0xb8;
	[tilespmem:$0x1E1A8] =	vst v63  }
0xa9: {  	s30 =	sadd.s32 $0x500, s0  }
0xaa: {  	[tilespmem:s19], [sflag:$0x1] =	stream.indirect.gather [hbm4b:s3+s9], $0x40, s30, s9, $0xb8;
	[tilespmem:$0x1E1A8] =	vst v63  }
0xab: {  	s0 =	sadd.s32 $0x580, s0  }
0xac: {  	[tilespmem:s20], [sflag:$0x1] =	stream.indirect.gather [hbm4b:s3+s9], $0x40, s0, s9, $0xb8;
	[tilespmem:$0x1E1A8] =	vst v63  }
0xad: {  	_ =	swait.ge [sflag:s21], $0x2000  }
0xae: {  	[sflag:s21] =	ssyncset.done $0x0  }
0xaf: {  	[sflag:s21] =	ssyncadd.s32 $0xFFFFE000  }
0xb0: {  	_ =	swait.ge [sflag:s21], $0x2000  }
0xb1: {  	[sflag:s21] =	ssyncset.done $0x0  }
0xb2: {  	[sflag:s21] =	ssyncadd.s32 $0xFFFFE000  }
0xb3: {  	_ =	swait.ge [sflag:s21], $0x2000  }
0xb4: {  	[sflag:s21] =	ssyncset.done $0x0  }
0xb5: {  	[sflag:s21] =	ssyncadd.s32 $0xFFFFE000  }
0xb6: {  	_ =	swait.ge [sflag:s21], $0x2000  }
0xb7: {  	[sflag:s21] =	ssyncset.done $0x0  }
0xb8: {  	[sflag:s21] =	ssyncadd.s32 $0xFFFFE000  }
0xb9: {  	_ =	swait.ge [sflag:s21], $0x2000  }
0xba: {  	[sflag:s21] =	ssyncset.done $0x0  }
0xbb: {  	[sflag:s21] =	ssyncadd.s32 $0xFFFFE000  }
0xbc: {  	_ =	swait.ge [sflag:s21], $0x2000  }
0xbd: {  	[sflag:s21] =	ssyncset.done $0x0  }
0xbe: {  	[sflag:s21] =	ssyncadd.s32 $0xFFFFE000  }
0xbf: {  	_ =	swait.ge [sflag:s21], $0x2000  }
0xc0: {  	[sflag:s21] =	ssyncset.done $0x0  }
0xc1: {  	[sflag:s21] =	ssyncadd.s32 $0xFFFFE000  }
0xc2: {  	_ =	swait.ge [sflag:s21], $0x2000  }
0xc3: {  	[sflag:s21] =	ssyncset.done $0x0  }
0xc4: {  	[sflag:s21] =	ssyncadd.s32 $0xFFFFE000  }
0xc5: {  	_ =	swait.ge [sflag:s21], $0x2000  }
0xc6: {  	[sflag:s21] =	ssyncset.done $0x0  }
0xc7: {  	[sflag:s21] =	ssyncadd.s32 $0xFFFFE000  }
0xc8: {  	_ =	swait.ge [sflag:s21], $0x2000  }
0xc9: {  	[sflag:s21] =	ssyncset.done $0x0  }
0xca: {  	[sflag:s21] =	ssyncadd.s32 $0xFFFFE000  }
0xcb: {  	_ =	swait.ge [sflag:s21], $0x2000  }
0xcc: {  	[sflag:s21] =	ssyncset.done $0x0  }
0xcd: {  	[sflag:s21] =	ssyncadd.s32 $0xFFFFE000  }
0xce: {  	_ =	swait.ge [sflag:s21], $0x2000  }
0xcf: {  	[sflag:s21] =	ssyncset.done $0x0  }
0xd0: {  	[sflag:s21] =	ssyncadd.s32 $0xFFFFE000  }
0xd1: {  	[hbm4b:s29+s2] =	stream.linear.scatter [tilespmem:s10], [sflag:$0x2], $0x18000, $0x38;
	[tilespmem:$0x1E1A8] =	vst v63  }
0xd2: {  	_ =	swait.ge [sflag:s8], $0x18000  }
0xd3: {  	[sflag:s8] =	ssyncset.done $0x0  }
0xd4: {  	s31 =	simm.s32 $0x6000;
	[sflag:s8] =	ssyncadd.s32 $0xFFFE8000  }
0xd5: {  	[tilespmem:s10], [sflag:$0x1] =	stream.indirect.gather [hbm4b:s3+s9], $0x40, s31, s9, $0xb8;
	[tilespmem:$0x1E1A8] =	vst v63  }
0xd6: {  	_ = 	snop  }
0xd7: {  	[tilespmem:s11], [sflag:$0x1] =	stream.indirect.gather [hbm4b:s3+s9], $0x40, s23, s9, $0xb8;
	[tilespmem:$0x1E1A8] =	vst v63  }
0xd8: {  	_ = 	snop  }
0xd9: {  	[tilespmem:s12], [sflag:$0x1] =	stream.indirect.gather [hbm4b:s3+s9], $0x40, s24, s9, $0xb8;
	[tilespmem:$0x1E1A8] =	vst v63  }
0xda: {  	_ = 	snop  }
0xdb: {  	[tilespmem:s13], [sflag:$0x1] =	stream.indirect.gather [hbm4b:s3+s25], $0x40, s26, s25, $0xb8;
	[tilespmem:$0x1E1A8] =	vst v63  }
0xdc: {  	_ =	swait.ge [sflag:s21], $0x2000  }
0xdd: {  	[sflag:s21] =	ssyncset.done $0x0  }
0xde: {  	[sflag:s21] =	ssyncadd.s32 $0xFFFFE000  }
0xdf: {  	_ =	swait.ge [sflag:s21], $0x2000  }
0xe0: {  	[sflag:s21] =	ssyncset.done $0x0  }
0xe1: {  	[sflag:s21] =	ssyncadd.s32 $0xFFFFE000  }
0xe2: {  	_ =	swait.ge [sflag:s21], $0x2000  }
0xe3: {  	[sflag:s21] =	ssyncset.done $0x0  }
0xe4: {  	[sflag:s21] =	ssyncadd.s32 $0xFFFFE000  }
0xe5: {  	s28 =	sadd.s32 $0x1, s28;
	_ =	swait.ge [sflag:s21], $0xA00  }
0xe6: {  	p0 =	sne.s32 s28, s6;
	[sflag:s21] =	ssyncset.done $0x0  }
.Ltmp1:
0xe7: {  	[sflag:s21] =	ssyncadd.s32 $0xFFFFF600;
	(pc) =	sbr.rel @p0 .LBB2_1-.Ltmp1, $4  }
0xe8: {  	[hbm4b:s5+s2] =	stream.linear.scatter [tilespmem:s10], [sflag:$0x2], $0x6A00, $0x38;
	[tilespmem:$0x1E1A8] =	vst v63  }
0xe9: {  	_ =	swait.ge [sflag:s8], $0x6A00  }
0xea: {  	[sflag:s8] =	ssyncset.done $0x0  }
0xeb: {  	[sflag:s8] =	ssyncadd.s32 $0xFFFF9600  }
0xec: {  	_ =	sfence.sel $0x180000  }
0xed: {  	[bflag:$0x0] =	sbarrier.arrive $0xFFFF  }
0xee: {  	_ =	strace $0x90000047  }
0xef: {  	s0 =	stileid.u32;
	[bflag:$0x2] =	sbarrier.arrive $0xFFFF  }
0xf0: {  	p0 =	sne.s32 s0, $0x0;
	s0 =	rddreg [dreg:$0x2]  }
0xf1: {  	s0 =	sadd.s32 @!p0 $0x100000, s0  }
0xf2: {  	[sflag:s0] =	ssyncadd.tile.s32 @!p0 $0x1;
	_ =	shalt  }
.Lfunc_end2:
_tile_overlayer_lowered:
.L_overlay_start_2:
0xf3: {  	(tag) =	ssettag $0x2  }
0xf4: {  	s0 =	rddreg [dreg:$0x0];
	s2 =	stileid.u32  }
0xf5: {  	s1 =	rddreg [dreg:$0x1];
	p0 =	sne.s32 s2, $0x0  }
0xf6: {  	s3 =	rddreg [dreg:$0x2];
	[bflag:$0x3] =	sbarrier.arrive $0xFFFF;
	s2 =	simm.s32 @!p0 $0x1C02  }
0xf7: {  	[timem:s3], [sflag:s2] =	dma.local @!p0 [hbm:s0], s1  }
0xf8: {  	s0 =	simm.s32 @!p0 $0x2  }
0xf9: {  	_ =	swait.ge @!p0 [sflag:s0], s1  }
0xfa: {  	s1 =	ssub.s32 @!p0 $0x0, s1;
	[sflag:s0] =	ssyncset.done @!p0 $0x0  }
0xfb: {  	[sflag:s0] =	ssyncadd.s32 @!p0 s1  }
0xfc: {  	[bflag:$0x3] =	sbarrier.arrive $0xFFFF  }
0xfd: {  	_ =	shalt  }

</sc_bundles>
